<compile_context>
chip_gen: v7x
topology: tpu7x:2x2x1
jax: 0.10.2.dev20260603
libtpu: 0.0.44.dev20260713+nightly
codegen_flags: <defaults>
</compile_context>

<pallas_src>
import functools

import jax
import jax.numpy as jnp
from jax import lax
from jax.experimental import pallas as pl
from jax.experimental.pallas import tpu as pltpu
from jax.experimental.pallas import tpu_sc as plsc


_ROWS_PER_WORKER = 4000
_N_WORKERS = 25
_CHUNK = 400
_N_CHUNKS = _ROWS_PER_WORKER // _CHUNK


def _sc_copy(x_hbm, o_hbm, buf0, buf1, sem_in, sem_out):
    wid = lax.axis_index("s") * 2 + lax.axis_index("c")

    @pl.when(wid < _N_WORKERS)
    def _():
        base = wid * _ROWS_PER_WORKER
        bufs = (buf0, buf1)
        ins = [
            pltpu.make_async_copy(
                x_hbm.at[pl.ds(base + j * _CHUNK, _CHUNK)],
                bufs[j % 2],
                sem_in.at[j % 2],
            )
            for j in range(_N_CHUNKS)
        ]
        outs = [
            pltpu.make_async_copy(
                bufs[j % 2],
                o_hbm.at[pl.ds(base + j * _CHUNK, _CHUNK)],
                sem_out.at[j % 2],
            )
            for j in range(_N_CHUNKS)
        ]
        ins[0].start()
        for j in range(_N_CHUNKS):
            if j + 1 < _N_CHUNKS:
                if j >= 1:
                    outs[j - 1].wait()
                ins[j + 1].start()
            ins[j].wait()
            outs[j].start()
        if _N_CHUNKS >= 2:
            outs[_N_CHUNKS - 2].wait()
        outs[_N_CHUNKS - 1].wait()


def kernel(x):
    mesh = plsc.VectorSubcoreMesh(core_axis_name="c", subcore_axis_name="s")
    run = functools.partial(
        pl.kernel,
        _sc_copy,
        mesh=mesh,
        out_type=jax.ShapeDtypeStruct(x.shape, x.dtype),
        scratch_types=[
            pltpu.VMEM((_CHUNK, 128), jnp.float32),
            pltpu.VMEM((_CHUNK, 128), jnp.float32),
            pltpu.SemaphoreType.DMA((2,)),
            pltpu.SemaphoreType.DMA((2,)),
        ],
    )()
    return run(x)

# --- scband reference (transcript-rebuilt; emitter-appended) ---
"""Pipeline reference for scband-nn-model-56530359550917 (READ-ONLY COPY).

The authoritative reference and input builder live on the scoring server;
editing this copy changes nothing except your own understanding.
"""

import jax, jax.numpy as jnp
import numpy as np

N_NODES = 100000
D_FEAT = 128

def setup_inputs(seed: int = 0) -> dict:
    key = jax.random.key(seed)
    x = jax.random.normal(key, (N_NODES, D_FEAT), dtype=jnp.float32)
    return {"x": x}

def reference(x):
    # nn_Model(layers=[], parallel_layers=False) builds an empty nn.Sequential,
    # so forward(x) performs no layer computation and returns
    # {'x_input': {'data': x, 'condition': None}, 'x_output': {'data': x}}.
    # The faithful JAX translation is an identity passthrough of x
    # (we return the 'x_output' tensor, which aliases the input tensor).
    x_input = x
    x_output = x_input  # empty sequential: no ops applied
    return x_output

if __name__ == "__main__":
    import jax
    _d = setup_inputs()
    print(jax.jit(kernel)(*tuple(_d.values())))

</pallas_src>

<mosaic_0001>
#map = affine_map<(d0, d1) -> (0, 0)>
module attributes {stable_mosaic.version = 14 : i64} {
  func.func @_sc_copy(%arg0: i32, %arg1: i32, %arg2: memref<100000x128xf32, #tpu.memory_space<hbm>>, %arg3: memref<100000x128xf32, #tpu.memory_space<hbm>>, %arg4: memref<400x128xf32, #tpu.memory_space<vmem>>, %arg5: memref<400x128xf32, #tpu.memory_space<vmem>>, %arg6: memref<2x!tpu.dma_semaphore, #tpu.memory_space<semaphore_mem>>, %arg7: memref<2x!tpu.dma_semaphore, #tpu.memory_space<semaphore_mem>>) attributes {dimension_semantics = [#tpu.dimension_semantics<core_parallel>, #tpu.dimension_semantics<subcore_parallel>], iteration_bounds = array<i64: 2, 16>, scalar_prefetch = 0 : i64, scratch_operands = 4 : i64, tpu.core_type = #tpu.core_type<sc_vector_subcore>, window_params = [{transform_indices = #map}, {transform_indices = #map}]} {
    %mul3A = arith.constant 2 : i32
    %mul3A_0 = arith.muli %arg1, %mul3A : i32
    %add3A = arith.addi %mul3A_0, %arg0 : i32
    %lt3A = arith.constant 25 : i32
    %lt3A_1 = arith.cmpi slt, %add3A, %lt3A : i32
    %convert_element_type3A = arith.extui %lt3A_1 : i1 to i32
    %cond3A = arith.constant 0 : i32
    %cond3A_2 = arith.cmpi ne, %convert_element_type3A, %cond3A : i32
    scf.if %cond3A_2 {
      %mul3A_3 = arith.constant 4000 : i32
      %mul3A_4 = arith.muli %add3A, %mul3A_3 : i32
      %add3A_5 = arith.constant 0 : i32
      %add3A_6 = arith.addi %mul3A_4, %add3A_5 : i32
      %add3A_7 = arith.constant 400 : i32
      %add3A_8 = arith.addi %mul3A_4, %add3A_7 : i32
      %add3A_9 = arith.constant 800 : i32
      %add3A_10 = arith.addi %mul3A_4, %add3A_9 : i32
      %add3A_11 = arith.constant 1200 : i32
      %add3A_12 = arith.addi %mul3A_4, %add3A_11 : i32
      %add3A_13 = arith.constant 1600 : i32
      %add3A_14 = arith.addi %mul3A_4, %add3A_13 : i32
      %add3A_15 = arith.constant 2000 : i32
      %add3A_16 = arith.addi %mul3A_4, %add3A_15 : i32
      %add3A_17 = arith.constant 2400 : i32
      %add3A_18 = arith.addi %mul3A_4, %add3A_17 : i32
      %add3A_19 = arith.constant 2800 : i32
      %add3A_20 = arith.addi %mul3A_4, %add3A_19 : i32
      %add3A_21 = arith.constant 3200 : i32
      %add3A_22 = arith.addi %mul3A_4, %add3A_21 : i32
      %add3A_23 = arith.constant 3600 : i32
      %add3A_24 = arith.addi %mul3A_4, %add3A_23 : i32
      %add3A_25 = arith.constant 0 : i32
      %add3A_26 = arith.addi %mul3A_4, %add3A_25 : i32
      %add3A_27 = arith.constant 400 : i32
      %add3A_28 = arith.addi %mul3A_4, %add3A_27 : i32
      %add3A_29 = arith.constant 800 : i32
      %add3A_30 = arith.addi %mul3A_4, %add3A_29 : i32
      %add3A_31 = arith.constant 1200 : i32
      %add3A_32 = arith.addi %mul3A_4, %add3A_31 : i32
      %add3A_33 = arith.constant 1600 : i32
      %add3A_34 = arith.addi %mul3A_4, %add3A_33 : i32
      %add3A_35 = arith.constant 2000 : i32
      %add3A_36 = arith.addi %mul3A_4, %add3A_35 : i32
      %add3A_37 = arith.constant 2400 : i32
      %add3A_38 = arith.addi %mul3A_4, %add3A_37 : i32
      %add3A_39 = arith.constant 2800 : i32
      %add3A_40 = arith.addi %mul3A_4, %add3A_39 : i32
      %add3A_41 = arith.constant 3200 : i32
      %add3A_42 = arith.addi %mul3A_4, %add3A_41 : i32
      %add3A_43 = arith.constant 3600 : i32
      %add3A_44 = arith.addi %mul3A_4, %add3A_43 : i32
      %dma_start3A = arith.constant 0 : i32
      %dma_start3A_45 = arith.constant 0 : i32
      %dma_start3A_46 = tpu.memref_slice %arg2[%add3A_6, %dma_start3A_45] : memref<100000x128xf32, #tpu.memory_space<hbm>> -> memref<400x128xf32, #tpu.memory_space<hbm>>
      %dma_start3A_47 = tpu.memref_slice %arg6[%dma_start3A] : memref<2x!tpu.dma_semaphore, #tpu.memory_space<semaphore_mem>> -> memref<1x!tpu.dma_semaphore, #tpu.memory_space<semaphore_mem>>
      %dma_start3A_48 = tpu.memref_squeeze %dma_start3A_47 : memref<1x!tpu.dma_semaphore, #tpu.memory_space<semaphore_mem>> -> memref<!tpu.dma_semaphore, #tpu.memory_space<semaphore_mem>>
      %dma_start3A_49 = arith.constant 0 : i32
      %dma_start3A_50 = tpu.memref_slice %arg2[%add3A_6, %dma_start3A_49] : memref<100000x128xf32, #tpu.memory_space<hbm>> -> memref<400x128xf32, #tpu.memory_space<hbm>>
      tpu.enqueue_dma source(%dma_start3A_50 : memref<400x128xf32, #tpu.memory_space<hbm>>) target(%arg4 : memref<400x128xf32, #tpu.memory_space<vmem>>) target_semaphore(%dma_start3A_48 : memref<!tpu.dma_semaphore, #tpu.memory_space<semaphore_mem>>)
      %dma_start3A_51 = arith.constant 1 : i32
      %dma_start3A_52 = arith.constant 0 : i32
      %dma_start3A_53 = tpu.memref_slice %arg2[%add3A_8, %dma_start3A_52] : memref<100000x128xf32, #tpu.memory_space<hbm>> -> memref<400x128xf32, #tpu.memory_space<hbm>>
      %dma_start3A_54 = tpu.memref_slice %arg6[%dma_start3A_51] : memref<2x!tpu.dma_semaphore, #tpu.memory_space<semaphore_mem>> -> memref<1x!tpu.dma_semaphore, #tpu.memory_space<semaphore_mem>>
      %dma_start3A_55 = tpu.memref_squeeze %dma_start3A_54 : memref<1x!tpu.dma_semaphore, #tpu.memory_space<semaphore_mem>> -> memref<!tpu.dma_semaphore, #tpu.memory_space<semaphore_mem>>
      %dma_start3A_56 = arith.constant 0 : i32
      %dma_start3A_57 = tpu.memref_slice %arg2[%add3A_8, %dma_start3A_56] : memref<100000x128xf32, #tpu.memory_space<hbm>> -> memref<400x128xf32, #tpu.memory_space<hbm>>
      tpu.enqueue_dma source(%dma_start3A_57 : memref<400x128xf32, #tpu.memory_space<hbm>>) target(%arg5 : memref<400x128xf32, #tpu.memory_space<vmem>>) target_semaphore(%dma_start3A_55 : memref<!tpu.dma_semaphore, #tpu.memory_space<semaphore_mem>>)
      %dma_wait3A = arith.constant 0 : i32
      %dma_wait3A_58 = arith.constant 0 : i32
      %dma_wait3A_59 = tpu.memref_slice %arg2[%add3A_6, %dma_wait3A_58] : memref<100000x128xf32, #tpu.memory_space<hbm>> -> memref<400x128xf32, #tpu.memory_space<hbm>>
      %dma_wait3A_60 = tpu.memref_slice %arg6[%dma_wait3A] : memref<2x!tpu.dma_semaphore, #tpu.memory_space<semaphore_mem>> -> memref<1x!tpu.dma_semaphore, #tpu.memory_space<semaphore_mem>>
      %dma_wait3A_61 = tpu.memref_squeeze %dma_wait3A_60 : memref<1x!tpu.dma_semaphore, #tpu.memory_space<semaphore_mem>> -> memref<!tpu.dma_semaphore, #tpu.memory_space<semaphore_mem>>
      %dma_wait3A_62 = arith.constant 0 : i32
      %dma_wait3A_63 = tpu.memref_slice %arg2[%add3A_6, %dma_wait3A_62] : memref<100000x128xf32, #tpu.memory_space<hbm>> -> memref<400x128xf32, #tpu.memory_space<hbm>>
      tpu.wait_dma2 semaphore(%dma_wait3A_61 : memref<!tpu.dma_semaphore, #tpu.memory_space<semaphore_mem>>) src(%dma_wait3A_63 : memref<400x128xf32, #tpu.memory_space<hbm>>) dst(%arg4 : memref<400x128xf32, #tpu.memory_space<vmem>>)
      %dma_start3A_64 = arith.constant 0 : i32
      %dma_start3A_65 = arith.constant 0 : i32
      %dma_start3A_66 = tpu.memref_slice %arg3[%add3A_26, %dma_start3A_65] : memref<100000x128xf32, #tpu.memory_space<hbm>> -> memref<400x128xf32, #tpu.memory_space<hbm>>
      %dma_start3A_67 = tpu.memref_slice %arg7[%dma_start3A_64] : memref<2x!tpu.dma_semaphore, #tpu.memory_space<semaphore_mem>> -> memref<1x!tpu.dma_semaphore, #tpu.memory_space<semaphore_mem>>
      %dma_start3A_68 = tpu.memref_squeeze %dma_start3A_67 : memref<1x!tpu.dma_semaphore, #tpu.memory_space<semaphore_mem>> -> memref<!tpu.dma_semaphore, #tpu.memory_space<semaphore_mem>>
      %dma_start3A_69 = arith.constant 0 : i32
      %dma_start3A_70 = tpu.memref_slice %arg3[%add3A_26, %dma_start3A_69] : memref<100000x128xf32, #tpu.memory_space<hbm>> -> memref<400x128xf32, #tpu.memory_space<hbm>>
      tpu.enqueue_dma source(%arg4 : memref<400x128xf32, #tpu.memory_space<vmem>>) target(%dma_start3A_70 : memref<400x128xf32, #tpu.memory_space<hbm>>) target_semaphore(%dma_start3A_68 : memref<!tpu.dma_semaphore, #tpu.memory_space<semaphore_mem>>)
      %dma_wait3A_71 = arith.constant 0 : i32
      %dma_wait3A_72 = arith.constant 0 : i32
      %dma_wait3A_73 = tpu.memref_slice %arg3[%add3A_26, %dma_wait3A_72] : memref<100000x128xf32, #tpu.memory_space<hbm>> -> memref<400x128xf32, #tpu.memory_space<hbm>>
      %dma_wait3A_74 = tpu.memref_slice %arg7[%dma_wait3A_71] : memref<2x!tpu.dma_semaphore, #tpu.memory_space<semaphore_mem>> -> memref<1x!tpu.dma_semaphore, #tpu.memory_space<semaphore_mem>>
      %dma_wait3A_75 = tpu.memref_squeeze %dma_wait3A_74 : memref<1x!tpu.dma_semaphore, #tpu.memory_space<semaphore_mem>> -> memref<!tpu.dma_semaphore, #tpu.memory_space<semaphore_mem>>
      %dma_wait3A_76 = arith.constant 0 : i32
      %dma_wait3A_77 = tpu.memref_slice %arg3[%add3A_26, %dma_wait3A_76] : memref<100000x128xf32, #tpu.memory_space<hbm>> -> memref<400x128xf32, #tpu.memory_space<hbm>>
      tpu.wait_dma2 semaphore(%dma_wait3A_75 : memref<!tpu.dma_semaphore, #tpu.memory_space<semaphore_mem>>) src(%arg4 : memref<400x128xf32, #tpu.memory_space<vmem>>) dst(%dma_wait3A_77 : memref<400x128xf32, #tpu.memory_space<hbm>>)
      %dma_start3A_78 = arith.constant 0 : i32
      %dma_start3A_79 = arith.constant 0 : i32
      %dma_start3A_80 = tpu.memref_slice %arg2[%add3A_10, %dma_start3A_79] : memref<100000x128xf32, #tpu.memory_space<hbm>> -> memref<400x128xf32, #tpu.memory_space<hbm>>
      %dma_start3A_81 = tpu.memref_slice %arg6[%dma_start3A_78] : memref<2x!tpu.dma_semaphore, #tpu.memory_space<semaphore_mem>> -> memref<1x!tpu.dma_semaphore, #tpu.memory_space<semaphore_mem>>
      %dma_start3A_82 = tpu.memref_squeeze %dma_start3A_81 : memref<1x!tpu.dma_semaphore, #tpu.memory_space<semaphore_mem>> -> memref<!tpu.dma_semaphore, #tpu.memory_space<semaphore_mem>>
      %dma_start3A_83 = arith.constant 0 : i32
      %dma_start3A_84 = tpu.memref_slice %arg2[%add3A_10, %dma_start3A_83] : memref<100000x128xf32, #tpu.memory_space<hbm>> -> memref<400x128xf32, #tpu.memory_space<hbm>>
      tpu.enqueue_dma source(%dma_start3A_84 : memref<400x128xf32, #tpu.memory_space<hbm>>) target(%arg4 : memref<400x128xf32, #tpu.memory_space<vmem>>) target_semaphore(%dma_start3A_82 : memref<!tpu.dma_semaphore, #tpu.memory_space<semaphore_mem>>)
      %dma_wait3A_85 = arith.constant 1 : i32
      %dma_wait3A_86 = arith.constant 0 : i32
      %dma_wait3A_87 = tpu.memref_slice %arg2[%add3A_8, %dma_wait3A_86] : memref<100000x128xf32, #tpu.memory_space<hbm>> -> memref<400x128xf32, #tpu.memory_space<hbm>>
      %dma_wait3A_88 = tpu.memref_slice %arg6[%dma_wait3A_85] : memref<2x!tpu.dma_semaphore, #tpu.memory_space<semaphore_mem>> -> memref<1x!tpu.dma_semaphore, #tpu.memory_space<semaphore_mem>>
      %dma_wait3A_89 = tpu.memref_squeeze %dma_wait3A_88 : memref<1x!tpu.dma_semaphore, #tpu.memory_space<semaphore_mem>> -> memref<!tpu.dma_semaphore, #tpu.memory_space<semaphore_mem>>
      %dma_wait3A_90 = arith.constant 0 : i32
      %dma_wait3A_91 = tpu.memref_slice %arg2[%add3A_8, %dma_wait3A_90] : memref<100000x128xf32, #tpu.memory_space<hbm>> -> memref<400x128xf32, #tpu.memory_space<hbm>>
      tpu.wait_dma2 semaphore(%dma_wait3A_89 : memref<!tpu.dma_semaphore, #tpu.memory_space<semaphore_mem>>) src(%dma_wait3A_91 : memref<400x128xf32, #tpu.memory_space<hbm>>) dst(%arg5 : memref<400x128xf32, #tpu.memory_space<vmem>>)
      %dma_start3A_92 = arith.constant 1 : i32
      %dma_start3A_93 = arith.constant 0 : i32
      %dma_start3A_94 = tpu.memref_slice %arg3[%add3A_28, %dma_start3A_93] : memref<100000x128xf32, #tpu.memory_space<hbm>> -> memref<400x128xf32, #tpu.memory_space<hbm>>
      %dma_start3A_95 = tpu.memref_slice %arg7[%dma_start3A_92] : memref<2x!tpu.dma_semaphore, #tpu.memory_space<semaphore_mem>> -> memref<1x!tpu.dma_semaphore, #tpu.memory_space<semaphore_mem>>
      %dma_start3A_96 = tpu.memref_squeeze %dma_start3A_95 : memref<1x!tpu.dma_semaphore, #tpu.memory_space<semaphore_mem>> -> memref<!tpu.dma_semaphore, #tpu.memory_space<semaphore_mem>>
      %dma_start3A_97 = arith.constant 0 : i32
      %dma_start3A_98 = tpu.memref_slice %arg3[%add3A_28, %dma_start3A_97] : memref<100000x128xf32, #tpu.memory_space<hbm>> -> memref<400x128xf32, #tpu.memory_space<hbm>>
      tpu.enqueue_dma source(%arg5 : memref<400x128xf32, #tpu.memory_space<vmem>>) target(%dma_start3A_98 : memref<400x128xf32, #tpu.memory_space<hbm>>) target_semaphore(%dma_start3A_96 : memref<!tpu.dma_semaphore, #tpu.memory_space<semaphore_mem>>)
      %dma_wait3A_99 = arith.constant 1 : i32
      %dma_wait3A_100 = arith.constant 0 : i32
      %dma_wait3A_101 = tpu.memref_slice %arg3[%add3A_28, %dma_wait3A_100] : memref<100000x128xf32, #tpu.memory_space<hbm>> -> memref<400x128xf32, #tpu.memory_space<hbm>>
      %dma_wait3A_102 = tpu.memref_slice %arg7[%dma_wait3A_99] : memref<2x!tpu.dma_semaphore, #tpu.memory_space<semaphore_mem>> -> memref<1x!tpu.dma_semaphore, #tpu.memory_space<semaphore_mem>>
      %dma_wait3A_103 = tpu.memref_squeeze %dma_wait3A_102 : memref<1x!tpu.dma_semaphore, #tpu.memory_space<semaphore_mem>> -> memref<!tpu.dma_semaphore, #tpu.memory_space<semaphore_mem>>
      %dma_wait3A_104 = arith.constant 0 : i32
      %dma_wait3A_105 = tpu.memref_slice %arg3[%add3A_28, %dma_wait3A_104] : memref<100000x128xf32, #tpu.memory_space<hbm>> -> memref<400x128xf32, #tpu.memory_space<hbm>>
      tpu.wait_dma2 semaphore(%dma_wait3A_103 : memref<!tpu.dma_semaphore, #tpu.memory_space<semaphore_mem>>) src(%arg5 : memref<400x128xf32, #tpu.memory_space<vmem>>) dst(%dma_wait3A_105 : memref<400x128xf32, #tpu.memory_space<hbm>>)
      %dma_start3A_106 = arith.constant 1 : i32
      %dma_start3A_107 = arith.constant 0 : i32
      %dma_start3A_108 = tpu.memref_slice %arg2[%add3A_12, %dma_start3A_107] : memref<100000x128xf32, #tpu.memory_space<hbm>> -> memref<400x128xf32, #tpu.memory_space<hbm>>
      %dma_start3A_109 = tpu.memref_slice %arg6[%dma_start3A_106] : memref<2x!tpu.dma_semaphore, #tpu.memory_space<semaphore_mem>> -> memref<1x!tpu.dma_semaphore, #tpu.memory_space<semaphore_mem>>
      %dma_start3A_110 = tpu.memref_squeeze %dma_start3A_109 : memref<1x!tpu.dma_semaphore, #tpu.memory_space<semaphore_mem>> -> memref<!tpu.dma_semaphore, #tpu.memory_space<semaphore_mem>>
      %dma_start3A_111 = arith.constant 0 : i32
      %dma_start3A_112 = tpu.memref_slice %arg2[%add3A_12, %dma_start3A_111] : memref<100000x128xf32, #tpu.memory_space<hbm>> -> memref<400x128xf32, #tpu.memory_space<hbm>>
      tpu.enqueue_dma source(%dma_start3A_112 : memref<400x128xf32, #tpu.memory_space<hbm>>) target(%arg5 : memref<400x128xf32, #tpu.memory_space<vmem>>) target_semaphore(%dma_start3A_110 : memref<!tpu.dma_semaphore, #tpu.memory_space<semaphore_mem>>)
      %dma_wait3A_113 = arith.constant 0 : i32
      %dma_wait3A_114 = arith.constant 0 : i32
      %dma_wait3A_115 = tpu.memref_slice %arg2[%add3A_10, %dma_wait3A_114] : memref<100000x128xf32, #tpu.memory_space<hbm>> -> memref<400x128xf32, #tpu.memory_space<hbm>>
      %dma_wait3A_116 = tpu.memref_slice %arg6[%dma_wait3A_113] : memref<2x!tpu.dma_semaphore, #tpu.memory_space<semaphore_mem>> -> memref<1x!tpu.dma_semaphore, #tpu.memory_space<semaphore_mem>>
      %dma_wait3A_117 = tpu.memref_squeeze %dma_wait3A_116 : memref<1x!tpu.dma_semaphore, #tpu.memory_space<semaphore_mem>> -> memref<!tpu.dma_semaphore, #tpu.memory_space<semaphore_mem>>
      %dma_wait3A_118 = arith.constant 0 : i32
      %dma_wait3A_119 = tpu.memref_slice %arg2[%add3A_10, %dma_wait3A_118] : memref<100000x128xf32, #tpu.memory_space<hbm>> -> memref<400x128xf32, #tpu.memory_space<hbm>>
      tpu.wait_dma2 semaphore(%dma_wait3A_117 : memref<!tpu.dma_semaphore, #tpu.memory_space<semaphore_mem>>) src(%dma_wait3A_119 : memref<400x128xf32, #tpu.memory_space<hbm>>) dst(%arg4 : memref<400x128xf32, #tpu.memory_space<vmem>>)
      %dma_start3A_120 = arith.constant 0 : i32
      %dma_start3A_121 = arith.constant 0 : i32
      %dma_start3A_122 = tpu.memref_slice %arg3[%add3A_30, %dma_start3A_121] : memref<100000x128xf32, #tpu.memory_space<hbm>> -> memref<400x128xf32, #tpu.memory_space<hbm>>
      %dma_start3A_123 = tpu.memref_slice %arg7[%dma_start3A_120] : memref<2x!tpu.dma_semaphore, #tpu.memory_space<semaphore_mem>> -> memref<1x!tpu.dma_semaphore, #tpu.memory_space<semaphore_mem>>
      %dma_start3A_124 = tpu.memref_squeeze %dma_start3A_123 : memref<1x!tpu.dma_semaphore, #tpu.memory_space<semaphore_mem>> -> memref<!tpu.dma_semaphore, #tpu.memory_space<semaphore_mem>>
      %dma_start3A_125 = arith.constant 0 : i32
      %dma_start3A_126 = tpu.memref_slice %arg3[%add3A_30, %dma_start3A_125] : memref<100000x128xf32, #tpu.memory_space<hbm>> -> memref<400x128xf32, #tpu.memory_space<hbm>>
      tpu.enqueue_dma source(%arg4 : memref<400x128xf32, #tpu.memory_space<vmem>>) target(%dma_start3A_126 : memref<400x128xf32, #tpu.memory_space<hbm>>) target_semaphore(%dma_start3A_124 : memref<!tpu.dma_semaphore, #tpu.memory_space<semaphore_mem>>)
      %dma_wait3A_127 = arith.constant 0 : i32
      %dma_wait3A_128 = arith.constant 0 : i32
      %dma_wait3A_129 = tpu.memref_slice %arg3[%add3A_30, %dma_wait3A_128] : memref<100000x128xf32, #tpu.memory_space<hbm>> -> memref<400x128xf32, #tpu.memory_space<hbm>>
      %dma_wait3A_130 = tpu.memref_slice %arg7[%dma_wait3A_127] : memref<2x!tpu.dma_semaphore, #tpu.memory_space<semaphore_mem>> -> memref<1x!tpu.dma_semaphore, #tpu.memory_space<semaphore_mem>>
      %dma_wait3A_131 = tpu.memref_squeeze %dma_wait3A_130 : memref<1x!tpu.dma_semaphore, #tpu.memory_space<semaphore_mem>> -> memref<!tpu.dma_semaphore, #tpu.memory_space<semaphore_mem>>
      %dma_wait3A_132 = arith.constant 0 : i32
      %dma_wait3A_133 = tpu.memref_slice %arg3[%add3A_30, %dma_wait3A_132] : memref<100000x128xf32, #tpu.memory_space<hbm>> -> memref<400x128xf32, #tpu.memory_space<hbm>>
      tpu.wait_dma2 semaphore(%dma_wait3A_131 : memref<!tpu.dma_semaphore, #tpu.memory_space<semaphore_mem>>) src(%arg4 : memref<400x128xf32, #tpu.memory_space<vmem>>) dst(%dma_wait3A_133 : memref<400x128xf32, #tpu.memory_space<hbm>>)
      %dma_start3A_134 = arith.constant 0 : i32
      %dma_start3A_135 = arith.constant 0 : i32
      %dma_start3A_136 = tpu.memref_slice %arg2[%add3A_14, %dma_start3A_135] : memref<100000x128xf32, #tpu.memory_space<hbm>> -> memref<400x128xf32, #tpu.memory_space<hbm>>
      %dma_start3A_137 = tpu.memref_slice %arg6[%dma_start3A_134] : memref<2x!tpu.dma_semaphore, #tpu.memory_space<semaphore_mem>> -> memref<1x!tpu.dma_semaphore, #tpu.memory_space<semaphore_mem>>
      %dma_start3A_138 = tpu.memref_squeeze %dma_start3A_137 : memref<1x!tpu.dma_semaphore, #tpu.memory_space<semaphore_mem>> -> memref<!tpu.dma_semaphore, #tpu.memory_space<semaphore_mem>>
      %dma_start3A_139 = arith.constant 0 : i32
      %dma_start3A_140 = tpu.memref_slice %arg2[%add3A_14, %dma_start3A_139] : memref<100000x128xf32, #tpu.memory_space<hbm>> -> memref<400x128xf32, #tpu.memory_space<hbm>>
      tpu.enqueue_dma source(%dma_start3A_140 : memref<400x128xf32, #tpu.memory_space<hbm>>) target(%arg4 : memref<400x128xf32, #tpu.memory_space<vmem>>) target_semaphore(%dma_start3A_138 : memref<!tpu.dma_semaphore, #tpu.memory_space<semaphore_mem>>)
      %dma_wait3A_141 = arith.constant 1 : i32
      %dma_wait3A_142 = arith.constant 0 : i32
      %dma_wait3A_143 = tpu.memref_slice %arg2[%add3A_12, %dma_wait3A_142] : memref<100000x128xf32, #tpu.memory_space<hbm>> -> memref<400x128xf32, #tpu.memory_space<hbm>>
      %dma_wait3A_144 = tpu.memref_slice %arg6[%dma_wait3A_141] : memref<2x!tpu.dma_semaphore, #tpu.memory_space<semaphore_mem>> -> memref<1x!tpu.dma_semaphore, #tpu.memory_space<semaphore_mem>>
      %dma_wait3A_145 = tpu.memref_squeeze %dma_wait3A_144 : memref<1x!tpu.dma_semaphore, #tpu.memory_space<semaphore_mem>> -> memref<!tpu.dma_semaphore, #tpu.memory_space<semaphore_mem>>
      %dma_wait3A_146 = arith.constant 0 : i32
      %dma_wait3A_147 = tpu.memref_slice %arg2[%add3A_12, %dma_wait3A_146] : memref<100000x128xf32, #tpu.memory_space<hbm>> -> memref<400x128xf32, #tpu.memory_space<hbm>>
      tpu.wait_dma2 semaphore(%dma_wait3A_145 : memref<!tpu.dma_semaphore, #tpu.memory_space<semaphore_mem>>) src(%dma_wait3A_147 : memref<400x128xf32, #tpu.memory_space<hbm>>) dst(%arg5 : memref<400x128xf32, #tpu.memory_space<vmem>>)
      %dma_start3A_148 = arith.constant 1 : i32
      %dma_start3A_149 = arith.constant 0 : i32
      %dma_start3A_150 = tpu.memref_slice %arg3[%add3A_32, %dma_start3A_149] : memref<100000x128xf32, #tpu.memory_space<hbm>> -> memref<400x128xf32, #tpu.memory_space<hbm>>
      %dma_start3A_151 = tpu.memref_slice %arg7[%dma_start3A_148] : memref<2x!tpu.dma_semaphore, #tpu.memory_space<semaphore_mem>> -> memref<1x!tpu.dma_semaphore, #tpu.memory_space<semaphore_mem>>
      %dma_start3A_152 = tpu.memref_squeeze %dma_start3A_151 : memref<1x!tpu.dma_semaphore, #tpu.memory_space<semaphore_mem>> -> memref<!tpu.dma_semaphore, #tpu.memory_space<semaphore_mem>>
      %dma_start3A_153 = arith.constant 0 : i32
      %dma_start3A_154 = tpu.memref_slice %arg3[%add3A_32, %dma_start3A_153] : memref<100000x128xf32, #tpu.memory_space<hbm>> -> memref<400x128xf32, #tpu.memory_space<hbm>>
      tpu.enqueue_dma source(%arg5 : memref<400x128xf32, #tpu.memory_space<vmem>>) target(%dma_start3A_154 : memref<400x128xf32, #tpu.memory_space<hbm>>) target_semaphore(%dma_start3A_152 : memref<!tpu.dma_semaphore, #tpu.memory_space<semaphore_mem>>)
      %dma_wait3A_155 = arith.constant 1 : i32
      %dma_wait3A_156 = arith.constant 0 : i32
      %dma_wait3A_157 = tpu.memref_slice %arg3[%add3A_32, %dma_wait3A_156] : memref<100000x128xf32, #tpu.memory_space<hbm>> -> memref<400x128xf32, #tpu.memory_space<hbm>>
      %dma_wait3A_158 = tpu.memref_slice %arg7[%dma_wait3A_155] : memref<2x!tpu.dma_semaphore, #tpu.memory_space<semaphore_mem>> -> memref<1x!tpu.dma_semaphore, #tpu.memory_space<semaphore_mem>>
      %dma_wait3A_159 = tpu.memref_squeeze %dma_wait3A_158 : memref<1x!tpu.dma_semaphore, #tpu.memory_space<semaphore_mem>> -> memref<!tpu.dma_semaphore, #tpu.memory_space<semaphore_mem>>
      %dma_wait3A_160 = arith.constant 0 : i32
      %dma_wait3A_161 = tpu.memref_slice %arg3[%add3A_32, %dma_wait3A_160] : memref<100000x128xf32, #tpu.memory_space<hbm>> -> memref<400x128xf32, #tpu.memory_space<hbm>>
      tpu.wait_dma2 semaphore(%dma_wait3A_159 : memref<!tpu.dma_semaphore, #tpu.memory_space<semaphore_mem>>) src(%arg5 : memref<400x128xf32, #tpu.memory_space<vmem>>) dst(%dma_wait3A_161 : memref<400x128xf32, #tpu.memory_space<hbm>>)
      %dma_start3A_162 = arith.constant 1 : i32
      %dma_start3A_163 = arith.constant 0 : i32
      %dma_start3A_164 = tpu.memref_slice %arg2[%add3A_16, %dma_start3A_163] : memref<100000x128xf32, #tpu.memory_space<hbm>> -> memref<400x128xf32, #tpu.memory_space<hbm>>
      %dma_start3A_165 = tpu.memref_slice %arg6[%dma_start3A_162] : memref<2x!tpu.dma_semaphore, #tpu.memory_space<semaphore_mem>> -> memref<1x!tpu.dma_semaphore, #tpu.memory_space<semaphore_mem>>
      %dma_start3A_166 = tpu.memref_squeeze %dma_start3A_165 : memref<1x!tpu.dma_semaphore, #tpu.memory_space<semaphore_mem>> -> memref<!tpu.dma_semaphore, #tpu.memory_space<semaphore_mem>>
      %dma_start3A_167 = arith.constant 0 : i32
      %dma_start3A_168 = tpu.memref_slice %arg2[%add3A_16, %dma_start3A_167] : memref<100000x128xf32, #tpu.memory_space<hbm>> -> memref<400x128xf32, #tpu.memory_space<hbm>>
      tpu.enqueue_dma source(%dma_start3A_168 : memref<400x128xf32, #tpu.memory_space<hbm>>) target(%arg5 : memref<400x128xf32, #tpu.memory_space<vmem>>) target_semaphore(%dma_start3A_166 : memref<!tpu.dma_semaphore, #tpu.memory_space<semaphore_mem>>)
      %dma_wait3A_169 = arith.constant 0 : i32
      %dma_wait3A_170 = arith.constant 0 : i32
      %dma_wait3A_171 = tpu.memref_slice %arg2[%add3A_14, %dma_wait3A_170] : memref<100000x128xf32, #tpu.memory_space<hbm>> -> memref<400x128xf32, #tpu.memory_space<hbm>>
      %dma_wait3A_172 = tpu.memref_slice %arg6[%dma_wait3A_169] : memref<2x!tpu.dma_semaphore, #tpu.memory_space<semaphore_mem>> -> memref<1x!tpu.dma_semaphore, #tpu.memory_space<semaphore_mem>>
      %dma_wait3A_173 = tpu.memref_squeeze %dma_wait3A_172 : memref<1x!tpu.dma_semaphore, #tpu.memory_space<semaphore_mem>> -> memref<!tpu.dma_semaphore, #tpu.memory_space<semaphore_mem>>
      %dma_wait3A_174 = arith.constant 0 : i32
      %dma_wait3A_175 = tpu.memref_slice %arg2[%add3A_14, %dma_wait3A_174] : memref<100000x128xf32, #tpu.memory_space<hbm>> -> memref<400x128xf32, #tpu.memory_space<hbm>>
      tpu.wait_dma2 semaphore(%dma_wait3A_173 : memref<!tpu.dma_semaphore, #tpu.memory_space<semaphore_mem>>) src(%dma_wait3A_175 : memref<400x128xf32, #tpu.memory_space<hbm>>) dst(%arg4 : memref<400x128xf32, #tpu.memory_space<vmem>>)
      %dma_start3A_176 = arith.constant 0 : i32
      %dma_start3A_177 = arith.constant 0 : i32
      %dma_start3A_178 = tpu.memref_slice %arg3[%add3A_34, %dma_start3A_177] : memref<100000x128xf32, #tpu.memory_space<hbm>> -> memref<400x128xf32, #tpu.memory_space<hbm>>
      %dma_start3A_179 = tpu.memref_slice %arg7[%dma_start3A_176] : memref<2x!tpu.dma_semaphore, #tpu.memory_space<semaphore_mem>> -> memref<1x!tpu.dma_semaphore, #tpu.memory_space<semaphore_mem>>
      %dma_start3A_180 = tpu.memref_squeeze %dma_start3A_179 : memref<1x!tpu.dma_semaphore, #tpu.memory_space<semaphore_mem>> -> memref<!tpu.dma_semaphore, #tpu.memory_space<semaphore_mem>>
      %dma_start3A_181 = arith.constant 0 : i32
      %dma_start3A_182 = tpu.memref_slice %arg3[%add3A_34, %dma_start3A_181] : memref<100000x128xf32, #tpu.memory_space<hbm>> -> memref<400x128xf32, #tpu.memory_space<hbm>>
      tpu.enqueue_dma source(%arg4 : memref<400x128xf32, #tpu.memory_space<vmem>>) target(%dma_start3A_182 : memref<400x128xf32, #tpu.memory_space<hbm>>) target_semaphore(%dma_start3A_180 : memref<!tpu.dma_semaphore, #tpu.memory_space<semaphore_mem>>)
      %dma_wait3A_183 = arith.constant 0 : i32
      %dma_wait3A_184 = arith.constant 0 : i32
      %dma_wait3A_185 = tpu.memref_slice %arg3[%add3A_34, %dma_wait3A_184] : memref<100000x128xf32, #tpu.memory_space<hbm>> -> memref<400x128xf32, #tpu.memory_space<hbm>>
      %dma_wait3A_186 = tpu.memref_slice %arg7[%dma_wait3A_183] : memref<2x!tpu.dma_semaphore, #tpu.memory_space<semaphore_mem>> -> memref<1x!tpu.dma_semaphore, #tpu.memory_space<semaphore_mem>>
      %dma_wait3A_187 = tpu.memref_squeeze %dma_wait3A_186 : memref<1x!tpu.dma_semaphore, #tpu.memory_space<semaphore_mem>> -> memref<!tpu.dma_semaphore, #tpu.memory_space<semaphore_mem>>
      %dma_wait3A_188 = arith.constant 0 : i32
      %dma_wait3A_189 = tpu.memref_slice %arg3[%add3A_34, %dma_wait3A_188] : memref<100000x128xf32, #tpu.memory_space<hbm>> -> memref<400x128xf32, #tpu.memory_space<hbm>>
      tpu.wait_dma2 semaphore(%dma_wait3A_187 : memref<!tpu.dma_semaphore, #tpu.memory_space<semaphore_mem>>) src(%arg4 : memref<400x128xf32, #tpu.memory_space<vmem>>) dst(%dma_wait3A_189 : memref<400x128xf32, #tpu.memory_space<hbm>>)
      %dma_start3A_190 = arith.constant 0 : i32
      %dma_start3A_191 = arith.constant 0 : i32
      %dma_start3A_192 = tpu.memref_slice %arg2[%add3A_18, %dma_start3A_191] : memref<100000x128xf32, #tpu.memory_space<hbm>> -> memref<400x128xf32, #tpu.memory_space<hbm>>
      %dma_start3A_193 = tpu.memref_slice %arg6[%dma_start3A_190] : memref<2x!tpu.dma_semaphore, #tpu.memory_space<semaphore_mem>> -> memref<1x!tpu.dma_semaphore, #tpu.memory_space<semaphore_mem>>
      %dma_start3A_194 = tpu.memref_squeeze %dma_start3A_193 : memref<1x!tpu.dma_semaphore, #tpu.memory_space<semaphore_mem>> -> memref<!tpu.dma_semaphore, #tpu.memory_space<semaphore_mem>>
      %dma_start3A_195 = arith.constant 0 : i32
      %dma_start3A_196 = tpu.memref_slice %arg2[%add3A_18, %dma_start3A_195] : memref<100000x128xf32, #tpu.memory_space<hbm>> -> memref<400x128xf32, #tpu.memory_space<hbm>>
      tpu.enqueue_dma source(%dma_start3A_196 : memref<400x128xf32, #tpu.memory_space<hbm>>) target(%arg4 : memref<400x128xf32, #tpu.memory_space<vmem>>) target_semaphore(%dma_start3A_194 : memref<!tpu.dma_semaphore, #tpu.memory_space<semaphore_mem>>)
      %dma_wait3A_197 = arith.constant 1 : i32
      %dma_wait3A_198 = arith.constant 0 : i32
      %dma_wait3A_199 = tpu.memref_slice %arg2[%add3A_16, %dma_wait3A_198] : memref<100000x128xf32, #tpu.memory_space<hbm>> -> memref<400x128xf32, #tpu.memory_space<hbm>>
      %dma_wait3A_200 = tpu.memref_slice %arg6[%dma_wait3A_197] : memref<2x!tpu.dma_semaphore, #tpu.memory_space<semaphore_mem>> -> memref<1x!tpu.dma_semaphore, #tpu.memory_space<semaphore_mem>>
      %dma_wait3A_201 = tpu.memref_squeeze %dma_wait3A_200 : memref<1x!tpu.dma_semaphore, #tpu.memory_space<semaphore_mem>> -> memref<!tpu.dma_semaphore, #tpu.memory_space<semaphore_mem>>
      %dma_wait3A_202 = arith.constant 0 : i32
      %dma_wait3A_203 = tpu.memref_slice %arg2[%add3A_16, %dma_wait3A_202] : memref<100000x128xf32, #tpu.memory_space<hbm>> -> memref<400x128xf32, #tpu.memory_space<hbm>>
      tpu.wait_dma2 semaphore(%dma_wait3A_201 : memref<!tpu.dma_semaphore, #tpu.memory_space<semaphore_mem>>) src(%dma_wait3A_203 : memref<400x128xf32, #tpu.memory_space<hbm>>) dst(%arg5 : memref<400x128xf32, #tpu.memory_space<vmem>>)
      %dma_start3A_204 = arith.constant 1 : i32
      %dma_start3A_205 = arith.constant 0 : i32
      %dma_start3A_206 = tpu.memref_slice %arg3[%add3A_36, %dma_start3A_205] : memref<100000x128xf32, #tpu.memory_space<hbm>> -> memref<400x128xf32, #tpu.memory_space<hbm>>
      %dma_start3A_207 = tpu.memref_slice %arg7[%dma_start3A_204] : memref<2x!tpu.dma_semaphore, #tpu.memory_space<semaphore_mem>> -> memref<1x!tpu.dma_semaphore, #tpu.memory_space<semaphore_mem>>
      %dma_start3A_208 = tpu.memref_squeeze %dma_start3A_207 : memref<1x!tpu.dma_semaphore, #tpu.memory_space<semaphore_mem>> -> memref<!tpu.dma_semaphore, #tpu.memory_space<semaphore_mem>>
      %dma_start3A_209 = arith.constant 0 : i32
      %dma_start3A_210 = tpu.memref_slice %arg3[%add3A_36, %dma_start3A_209] : memref<100000x128xf32, #tpu.memory_space<hbm>> -> memref<400x128xf32, #tpu.memory_space<hbm>>
      tpu.enqueue_dma source(%arg5 : memref<400x128xf32, #tpu.memory_space<vmem>>) target(%dma_start3A_210 : memref<400x128xf32, #tpu.memory_space<hbm>>) target_semaphore(%dma_start3A_208 : memref<!tpu.dma_semaphore, #tpu.memory_space<semaphore_mem>>)
      %dma_wait3A_211 = arith.constant 1 : i32
      %dma_wait3A_212 = arith.constant 0 : i32
      %dma_wait3A_213 = tpu.memref_slice %arg3[%add3A_36, %dma_wait3A_212] : memref<100000x128xf32, #tpu.memory_space<hbm>> -> memref<400x128xf32, #tpu.memory_space<hbm>>
      %dma_wait3A_214 = tpu.memref_slice %arg7[%dma_wait3A_211] : memref<2x!tpu.dma_semaphore, #tpu.memory_space<semaphore_mem>> -> memref<1x!tpu.dma_semaphore, #tpu.memory_space<semaphore_mem>>
      %dma_wait3A_215 = tpu.memref_squeeze %dma_wait3A_214 : memref<1x!tpu.dma_semaphore, #tpu.memory_space<semaphore_mem>> -> memref<!tpu.dma_semaphore, #tpu.memory_space<semaphore_mem>>
      %dma_wait3A_216 = arith.constant 0 : i32
      %dma_wait3A_217 = tpu.memref_slice %arg3[%add3A_36, %dma_wait3A_216] : memref<100000x128xf32, #tpu.memory_space<hbm>> -> memref<400x128xf32, #tpu.memory_space<hbm>>
      tpu.wait_dma2 semaphore(%dma_wait3A_215 : memref<!tpu.dma_semaphore, #tpu.memory_space<semaphore_mem>>) src(%arg5 : memref<400x128xf32, #tpu.memory_space<vmem>>) dst(%dma_wait3A_217 : memref<400x128xf32, #tpu.memory_space<hbm>>)
      %dma_start3A_218 = arith.constant 1 : i32
      %dma_start3A_219 = arith.constant 0 : i32
      %dma_start3A_220 = tpu.memref_slice %arg2[%add3A_20, %dma_start3A_219] : memref<100000x128xf32, #tpu.memory_space<hbm>> -> memref<400x128xf32, #tpu.memory_space<hbm>>
      %dma_start3A_221 = tpu.memref_slice %arg6[%dma_start3A_218] : memref<2x!tpu.dma_semaphore, #tpu.memory_space<semaphore_mem>> -> memref<1x!tpu.dma_semaphore, #tpu.memory_space<semaphore_mem>>
      %dma_start3A_222 = tpu.memref_squeeze %dma_start3A_221 : memref<1x!tpu.dma_semaphore, #tpu.memory_space<semaphore_mem>> -> memref<!tpu.dma_semaphore, #tpu.memory_space<semaphore_mem>>
      %dma_start3A_223 = arith.constant 0 : i32
      %dma_start3A_224 = tpu.memref_slice %arg2[%add3A_20, %dma_start3A_223] : memref<100000x128xf32, #tpu.memory_space<hbm>> -> memref<400x128xf32, #tpu.memory_space<hbm>>
      tpu.enqueue_dma source(%dma_start3A_224 : memref<400x128xf32, #tpu.memory_space<hbm>>) target(%arg5 : memref<400x128xf32, #tpu.memory_space<vmem>>) target_semaphore(%dma_start3A_222 : memref<!tpu.dma_semaphore, #tpu.memory_space<semaphore_mem>>)
      %dma_wait3A_225 = arith.constant 0 : i32
      %dma_wait3A_226 = arith.constant 0 : i32
      %dma_wait3A_227 = tpu.memref_slice %arg2[%add3A_18, %dma_wait3A_226] : memref<100000x128xf32, #tpu.memory_space<hbm>> -> memref<400x128xf32, #tpu.memory_space<hbm>>
      %dma_wait3A_228 = tpu.memref_slice %arg6[%dma_wait3A_225] : memref<2x!tpu.dma_semaphore, #tpu.memory_space<semaphore_mem>> -> memref<1x!tpu.dma_semaphore, #tpu.memory_space<semaphore_mem>>
      %dma_wait3A_229 = tpu.memref_squeeze %dma_wait3A_228 : memref<1x!tpu.dma_semaphore, #tpu.memory_space<semaphore_mem>> -> memref<!tpu.dma_semaphore, #tpu.memory_space<semaphore_mem>>
      %dma_wait3A_230 = arith.constant 0 : i32
      %dma_wait3A_231 = tpu.memref_slice %arg2[%add3A_18, %dma_wait3A_230] : memref<100000x128xf32, #tpu.memory_space<hbm>> -> memref<400x128xf32, #tpu.memory_space<hbm>>
      tpu.wait_dma2 semaphore(%dma_wait3A_229 : memref<!tpu.dma_semaphore, #tpu.memory_space<semaphore_mem>>) src(%dma_wait3A_231 : memref<400x128xf32, #tpu.memory_space<hbm>>) dst(%arg4 : memref<400x128xf32, #tpu.memory_space<vmem>>)
      %dma_start3A_232 = arith.constant 0 : i32
      %dma_start3A_233 = arith.constant 0 : i32
      %dma_start3A_234 = tpu.memref_slice %arg3[%add3A_38, %dma_start3A_233] : memref<100000x128xf32, #tpu.memory_space<hbm>> -> memref<400x128xf32, #tpu.memory_space<hbm>>
      %dma_start3A_235 = tpu.memref_slice %arg7[%dma_start3A_232] : memref<2x!tpu.dma_semaphore, #tpu.memory_space<semaphore_mem>> -> memref<1x!tpu.dma_semaphore, #tpu.memory_space<semaphore_mem>>
      %dma_start3A_236 = tpu.memref_squeeze %dma_start3A_235 : memref<1x!tpu.dma_semaphore, #tpu.memory_space<semaphore_mem>> -> memref<!tpu.dma_semaphore, #tpu.memory_space<semaphore_mem>>
      %dma_start3A_237 = arith.constant 0 : i32
      %dma_start3A_238 = tpu.memref_slice %arg3[%add3A_38, %dma_start3A_237] : memref<100000x128xf32, #tpu.memory_space<hbm>> -> memref<400x128xf32, #tpu.memory_space<hbm>>
      tpu.enqueue_dma source(%arg4 : memref<400x128xf32, #tpu.memory_space<vmem>>) target(%dma_start3A_238 : memref<400x128xf32, #tpu.memory_space<hbm>>) target_semaphore(%dma_start3A_236 : memref<!tpu.dma_semaphore, #tpu.memory_space<semaphore_mem>>)
      %dma_wait3A_239 = arith.constant 0 : i32
      %dma_wait3A_240 = arith.constant 0 : i32
      %dma_wait3A_241 = tpu.memref_slice %arg3[%add3A_38, %dma_wait3A_240] : memref<100000x128xf32, #tpu.memory_space<hbm>> -> memref<400x128xf32, #tpu.memory_space<hbm>>
      %dma_wait3A_242 = tpu.memref_slice %arg7[%dma_wait3A_239] : memref<2x!tpu.dma_semaphore, #tpu.memory_space<semaphore_mem>> -> memref<1x!tpu.dma_semaphore, #tpu.memory_space<semaphore_mem>>
      %dma_wait3A_243 = tpu.memref_squeeze %dma_wait3A_242 : memref<1x!tpu.dma_semaphore, #tpu.memory_space<semaphore_mem>> -> memref<!tpu.dma_semaphore, #tpu.memory_space<semaphore_mem>>
      %dma_wait3A_244 = arith.constant 0 : i32
      %dma_wait3A_245 = tpu.memref_slice %arg3[%add3A_38, %dma_wait3A_244] : memref<100000x128xf32, #tpu.memory_space<hbm>> -> memref<400x128xf32, #tpu.memory_space<hbm>>
      tpu.wait_dma2 semaphore(%dma_wait3A_243 : memref<!tpu.dma_semaphore, #tpu.memory_space<semaphore_mem>>) src(%arg4 : memref<400x128xf32, #tpu.memory_space<vmem>>) dst(%dma_wait3A_245 : memref<400x128xf32, #tpu.memory_space<hbm>>)
      %dma_start3A_246 = arith.constant 0 : i32
      %dma_start3A_247 = arith.constant 0 : i32
      %dma_start3A_248 = tpu.memref_slice %arg2[%add3A_22, %dma_start3A_247] : memref<100000x128xf32, #tpu.memory_space<hbm>> -> memref<400x128xf32, #tpu.memory_space<hbm>>
      %dma_start3A_249 = tpu.memref_slice %arg6[%dma_start3A_246] : memref<2x!tpu.dma_semaphore, #tpu.memory_space<semaphore_mem>> -> memref<1x!tpu.dma_semaphore, #tpu.memory_space<semaphore_mem>>
      %dma_start3A_250 = tpu.memref_squeeze %dma_start3A_249 : memref<1x!tpu.dma_semaphore, #tpu.memory_space<semaphore_mem>> -> memref<!tpu.dma_semaphore, #tpu.memory_space<semaphore_mem>>
      %dma_start3A_251 = arith.constant 0 : i32
      %dma_start3A_252 = tpu.memref_slice %arg2[%add3A_22, %dma_start3A_251] : memref<100000x128xf32, #tpu.memory_space<hbm>> -> memref<400x128xf32, #tpu.memory_space<hbm>>
      tpu.enqueue_dma source(%dma_start3A_252 : memref<400x128xf32, #tpu.memory_space<hbm>>) target(%arg4 : memref<400x128xf32, #tpu.memory_space<vmem>>) target_semaphore(%dma_start3A_250 : memref<!tpu.dma_semaphore, #tpu.memory_space<semaphore_mem>>)
      %dma_wait3A_253 = arith.constant 1 : i32
      %dma_wait3A_254 = arith.constant 0 : i32
      %dma_wait3A_255 = tpu.memref_slice %arg2[%add3A_20, %dma_wait3A_254] : memref<100000x128xf32, #tpu.memory_space<hbm>> -> memref<400x128xf32, #tpu.memory_space<hbm>>
      %dma_wait3A_256 = tpu.memref_slice %arg6[%dma_wait3A_253] : memref<2x!tpu.dma_semaphore, #tpu.memory_space<semaphore_mem>> -> memref<1x!tpu.dma_semaphore, #tpu.memory_space<semaphore_mem>>
      %dma_wait3A_257 = tpu.memref_squeeze %dma_wait3A_256 : memref<1x!tpu.dma_semaphore, #tpu.memory_space<semaphore_mem>> -> memref<!tpu.dma_semaphore, #tpu.memory_space<semaphore_mem>>
      %dma_wait3A_258 = arith.constant 0 : i32
      %dma_wait3A_259 = tpu.memref_slice %arg2[%add3A_20, %dma_wait3A_258] : memref<100000x128xf32, #tpu.memory_space<hbm>> -> memref<400x128xf32, #tpu.memory_space<hbm>>
      tpu.wait_dma2 semaphore(%dma_wait3A_257 : memref<!tpu.dma_semaphore, #tpu.memory_space<semaphore_mem>>) src(%dma_wait3A_259 : memref<400x128xf32, #tpu.memory_space<hbm>>) dst(%arg5 : memref<400x128xf32, #tpu.memory_space<vmem>>)
      %dma_start3A_260 = arith.constant 1 : i32
      %dma_start3A_261 = arith.constant 0 : i32
      %dma_start3A_262 = tpu.memref_slice %arg3[%add3A_40, %dma_start3A_261] : memref<100000x128xf32, #tpu.memory_space<hbm>> -> memref<400x128xf32, #tpu.memory_space<hbm>>
      %dma_start3A_263 = tpu.memref_slice %arg7[%dma_start3A_260] : memref<2x!tpu.dma_semaphore, #tpu.memory_space<semaphore_mem>> -> memref<1x!tpu.dma_semaphore, #tpu.memory_space<semaphore_mem>>
      %dma_start3A_264 = tpu.memref_squeeze %dma_start3A_263 : memref<1x!tpu.dma_semaphore, #tpu.memory_space<semaphore_mem>> -> memref<!tpu.dma_semaphore, #tpu.memory_space<semaphore_mem>>
      %dma_start3A_265 = arith.constant 0 : i32
      %dma_start3A_266 = tpu.memref_slice %arg3[%add3A_40, %dma_start3A_265] : memref<100000x128xf32, #tpu.memory_space<hbm>> -> memref<400x128xf32, #tpu.memory_space<hbm>>
      tpu.enqueue_dma source(%arg5 : memref<400x128xf32, #tpu.memory_space<vmem>>) target(%dma_start3A_266 : memref<400x128xf32, #tpu.memory_space<hbm>>) target_semaphore(%dma_start3A_264 : memref<!tpu.dma_semaphore, #tpu.memory_space<semaphore_mem>>)
      %dma_wait3A_267 = arith.constant 1 : i32
      %dma_wait3A_268 = arith.constant 0 : i32
      %dma_wait3A_269 = tpu.memref_slice %arg3[%add3A_40, %dma_wait3A_268] : memref<100000x128xf32, #tpu.memory_space<hbm>> -> memref<400x128xf32, #tpu.memory_space<hbm>>
      %dma_wait3A_270 = tpu.memref_slice %arg7[%dma_wait3A_267] : memref<2x!tpu.dma_semaphore, #tpu.memory_space<semaphore_mem>> -> memref<1x!tpu.dma_semaphore, #tpu.memory_space<semaphore_mem>>
      %dma_wait3A_271 = tpu.memref_squeeze %dma_wait3A_270 : memref<1x!tpu.dma_semaphore, #tpu.memory_space<semaphore_mem>> -> memref<!tpu.dma_semaphore, #tpu.memory_space<semaphore_mem>>
      %dma_wait3A_272 = arith.constant 0 : i32
      %dma_wait3A_273 = tpu.memref_slice %arg3[%add3A_40, %dma_wait3A_272] : memref<100000x128xf32, #tpu.memory_space<hbm>> -> memref<400x128xf32, #tpu.memory_space<hbm>>
      tpu.wait_dma2 semaphore(%dma_wait3A_271 : memref<!tpu.dma_semaphore, #tpu.memory_space<semaphore_mem>>) src(%arg5 : memref<400x128xf32, #tpu.memory_space<vmem>>) dst(%dma_wait3A_273 : memref<400x128xf32, #tpu.memory_space<hbm>>)
      %dma_start3A_274 = arith.constant 1 : i32
      %dma_start3A_275 = arith.constant 0 : i32
      %dma_start3A_276 = tpu.memref_slice %arg2[%add3A_24, %dma_start3A_275] : memref<100000x128xf32, #tpu.memory_space<hbm>> -> memref<400x128xf32, #tpu.memory_space<hbm>>
      %dma_start3A_277 = tpu.memref_slice %arg6[%dma_start3A_274] : memref<2x!tpu.dma_semaphore, #tpu.memory_space<semaphore_mem>> -> memref<1x!tpu.dma_semaphore, #tpu.memory_space<semaphore_mem>>
      %dma_start3A_278 = tpu.memref_squeeze %dma_start3A_277 : memref<1x!tpu.dma_semaphore, #tpu.memory_space<semaphore_mem>> -> memref<!tpu.dma_semaphore, #tpu.memory_space<semaphore_mem>>
      %dma_start3A_279 = arith.constant 0 : i32
      %dma_start3A_280 = tpu.memref_slice %arg2[%add3A_24, %dma_start3A_279] : memref<100000x128xf32, #tpu.memory_space<hbm>> -> memref<400x128xf32, #tpu.memory_space<hbm>>
      tpu.enqueue_dma source(%dma_start3A_280 : memref<400x128xf32, #tpu.memory_space<hbm>>) target(%arg5 : memref<400x128xf32, #tpu.memory_space<vmem>>) target_semaphore(%dma_start3A_278 : memref<!tpu.dma_semaphore, #tpu.memory_space<semaphore_mem>>)
      %dma_wait3A_281 = arith.constant 0 : i32
      %dma_wait3A_282 = arith.constant 0 : i32
      %dma_wait3A_283 = tpu.memref_slice %arg2[%add3A_22, %dma_wait3A_282] : memref<100000x128xf32, #tpu.memory_space<hbm>> -> memref<400x128xf32, #tpu.memory_space<hbm>>
      %dma_wait3A_284 = tpu.memref_slice %arg6[%dma_wait3A_281] : memref<2x!tpu.dma_semaphore, #tpu.memory_space<semaphore_mem>> -> memref<1x!tpu.dma_semaphore, #tpu.memory_space<semaphore_mem>>
      %dma_wait3A_285 = tpu.memref_squeeze %dma_wait3A_284 : memref<1x!tpu.dma_semaphore, #tpu.memory_space<semaphore_mem>> -> memref<!tpu.dma_semaphore, #tpu.memory_space<semaphore_mem>>
      %dma_wait3A_286 = arith.constant 0 : i32
      %dma_wait3A_287 = tpu.memref_slice %arg2[%add3A_22, %dma_wait3A_286] : memref<100000x128xf32, #tpu.memory_space<hbm>> -> memref<400x128xf32, #tpu.memory_space<hbm>>
      tpu.wait_dma2 semaphore(%dma_wait3A_285 : memref<!tpu.dma_semaphore, #tpu.memory_space<semaphore_mem>>) src(%dma_wait3A_287 : memref<400x128xf32, #tpu.memory_space<hbm>>) dst(%arg4 : memref<400x128xf32, #tpu.memory_space<vmem>>)
      %dma_start3A_288 = arith.constant 0 : i32
      %dma_start3A_289 = arith.constant 0 : i32
      %dma_start3A_290 = tpu.memref_slice %arg3[%add3A_42, %dma_start3A_289] : memref<100000x128xf32, #tpu.memory_space<hbm>> -> memref<400x128xf32, #tpu.memory_space<hbm>>
      %dma_start3A_291 = tpu.memref_slice %arg7[%dma_start3A_288] : memref<2x!tpu.dma_semaphore, #tpu.memory_space<semaphore_mem>> -> memref<1x!tpu.dma_semaphore, #tpu.memory_space<semaphore_mem>>
      %dma_start3A_292 = tpu.memref_squeeze %dma_start3A_291 : memref<1x!tpu.dma_semaphore, #tpu.memory_space<semaphore_mem>> -> memref<!tpu.dma_semaphore, #tpu.memory_space<semaphore_mem>>
      %dma_start3A_293 = arith.constant 0 : i32
      %dma_start3A_294 = tpu.memref_slice %arg3[%add3A_42, %dma_start3A_293] : memref<100000x128xf32, #tpu.memory_space<hbm>> -> memref<400x128xf32, #tpu.memory_space<hbm>>
      tpu.enqueue_dma source(%arg4 : memref<400x128xf32, #tpu.memory_space<vmem>>) target(%dma_start3A_294 : memref<400x128xf32, #tpu.memory_space<hbm>>) target_semaphore(%dma_start3A_292 : memref<!tpu.dma_semaphore, #tpu.memory_space<semaphore_mem>>)
      %dma_wait3A_295 = arith.constant 1 : i32
      %dma_wait3A_296 = arith.constant 0 : i32
      %dma_wait3A_297 = tpu.memref_slice %arg2[%add3A_24, %dma_wait3A_296] : memref<100000x128xf32, #tpu.memory_space<hbm>> -> memref<400x128xf32, #tpu.memory_space<hbm>>
      %dma_wait3A_298 = tpu.memref_slice %arg6[%dma_wait3A_295] : memref<2x!tpu.dma_semaphore, #tpu.memory_space<semaphore_mem>> -> memref<1x!tpu.dma_semaphore, #tpu.memory_space<semaphore_mem>>
      %dma_wait3A_299 = tpu.memref_squeeze %dma_wait3A_298 : memref<1x!tpu.dma_semaphore, #tpu.memory_space<semaphore_mem>> -> memref<!tpu.dma_semaphore, #tpu.memory_space<semaphore_mem>>
      %dma_wait3A_300 = arith.constant 0 : i32
      %dma_wait3A_301 = tpu.memref_slice %arg2[%add3A_24, %dma_wait3A_300] : memref<100000x128xf32, #tpu.memory_space<hbm>> -> memref<400x128xf32, #tpu.memory_space<hbm>>
      tpu.wait_dma2 semaphore(%dma_wait3A_299 : memref<!tpu.dma_semaphore, #tpu.memory_space<semaphore_mem>>) src(%dma_wait3A_301 : memref<400x128xf32, #tpu.memory_space<hbm>>) dst(%arg5 : memref<400x128xf32, #tpu.memory_space<vmem>>)
      %dma_start3A_302 = arith.constant 1 : i32
      %dma_start3A_303 = arith.constant 0 : i32
      %dma_start3A_304 = tpu.memref_slice %arg3[%add3A_44, %dma_start3A_303] : memref<100000x128xf32, #tpu.memory_space<hbm>> -> memref<400x128xf32, #tpu.memory_space<hbm>>
      %dma_start3A_305 = tpu.memref_slice %arg7[%dma_start3A_302] : memref<2x!tpu.dma_semaphore, #tpu.memory_space<semaphore_mem>> -> memref<1x!tpu.dma_semaphore, #tpu.memory_space<semaphore_mem>>
      %dma_start3A_306 = tpu.memref_squeeze %dma_start3A_305 : memref<1x!tpu.dma_semaphore, #tpu.memory_space<semaphore_mem>> -> memref<!tpu.dma_semaphore, #tpu.memory_space<semaphore_mem>>
      %dma_start3A_307 = arith.constant 0 : i32
      %dma_start3A_308 = tpu.memref_slice %arg3[%add3A_44, %dma_start3A_307] : memref<100000x128xf32, #tpu.memory_space<hbm>> -> memref<400x128xf32, #tpu.memory_space<hbm>>
      tpu.enqueue_dma source(%arg5 : memref<400x128xf32, #tpu.memory_space<vmem>>) target(%dma_start3A_308 : memref<400x128xf32, #tpu.memory_space<hbm>>) target_semaphore(%dma_start3A_306 : memref<!tpu.dma_semaphore, #tpu.memory_space<semaphore_mem>>)
      %dma_wait3A_309 = arith.constant 0 : i32
      %dma_wait3A_310 = arith.constant 0 : i32
      %dma_wait3A_311 = tpu.memref_slice %arg3[%add3A_42, %dma_wait3A_310] : memref<100000x128xf32, #tpu.memory_space<hbm>> -> memref<400x128xf32, #tpu.memory_space<hbm>>
      %dma_wait3A_312 = tpu.memref_slice %arg7[%dma_wait3A_309] : memref<2x!tpu.dma_semaphore, #tpu.memory_space<semaphore_mem>> -> memref<1x!tpu.dma_semaphore, #tpu.memory_space<semaphore_mem>>
      %dma_wait3A_313 = tpu.memref_squeeze %dma_wait3A_312 : memref<1x!tpu.dma_semaphore, #tpu.memory_space<semaphore_mem>> -> memref<!tpu.dma_semaphore, #tpu.memory_space<semaphore_mem>>
      %dma_wait3A_314 = arith.constant 0 : i32
      %dma_wait3A_315 = tpu.memref_slice %arg3[%add3A_42, %dma_wait3A_314] : memref<100000x128xf32, #tpu.memory_space<hbm>> -> memref<400x128xf32, #tpu.memory_space<hbm>>
      tpu.wait_dma2 semaphore(%dma_wait3A_313 : memref<!tpu.dma_semaphore, #tpu.memory_space<semaphore_mem>>) src(%arg4 : memref<400x128xf32, #tpu.memory_space<vmem>>) dst(%dma_wait3A_315 : memref<400x128xf32, #tpu.memory_space<hbm>>)
      %dma_wait3A_316 = arith.constant 1 : i32
      %dma_wait3A_317 = arith.constant 0 : i32
      %dma_wait3A_318 = tpu.memref_slice %arg3[%add3A_44, %dma_wait3A_317] : memref<100000x128xf32, #tpu.memory_space<hbm>> -> memref<400x128xf32, #tpu.memory_space<hbm>>
      %dma_wait3A_319 = tpu.memref_slice %arg7[%dma_wait3A_316] : memref<2x!tpu.dma_semaphore, #tpu.memory_space<semaphore_mem>> -> memref<1x!tpu.dma_semaphore, #tpu.memory_space<semaphore_mem>>
      %dma_wait3A_320 = tpu.memref_squeeze %dma_wait3A_319 : memref<1x!tpu.dma_semaphore, #tpu.memory_space<semaphore_mem>> -> memref<!tpu.dma_semaphore, #tpu.memory_space<semaphore_mem>>
      %dma_wait3A_321 = arith.constant 0 : i32
      %dma_wait3A_322 = tpu.memref_slice %arg3[%add3A_44, %dma_wait3A_321] : memref<100000x128xf32, #tpu.memory_space<hbm>> -> memref<400x128xf32, #tpu.memory_space<hbm>>
      tpu.wait_dma2 semaphore(%dma_wait3A_320 : memref<!tpu.dma_semaphore, #tpu.memory_space<semaphore_mem>>) src(%arg5 : memref<400x128xf32, #tpu.memory_space<vmem>>) dst(%dma_wait3A_322 : memref<400x128xf32, #tpu.memory_space<hbm>>)
    } else {
    }
    return
  }
}

</mosaic_0001>

<sc_bundles>
// kernel: kernel.3.cloned.1.call-start
scs
__scs_entry_jumppad:
0x0: {  	(pc) =	sbr.rel $0x88, $3  }
0x1: {  	(tag) =	ssettag $0x0;
	lr =	simm.s32 $0x1  }
0x2: {  	[smem:$0x3FA0] =	sst lr;
	_ =	strace $0xD0000000  }
0x3: {  	_ = 	snop  }
0x4: {  	_ = 	snop  }
0x5: {  	_ = 	snop  }
0x6: {  	_ = 	snop  }
0x7: {  	_ = 	snop  }
__scs_overlays_trampoline_lowered:
0x8: {  	[smem:$0x3FAF] =	sst s0  }
0x9: {  	[smem:$0x3FB0] =	sst s1  }
0xa: {  	[smem:$0x3FB1] =	sst s2  }
0xb: {  	[smem:$0x3FB2] =	sst s3  }
0xc: {  	[smem:$0x3FB3] =	sst s4  }
0xd: {  	[smem:$0x3FB4] =	sst s5  }
0xe: {  	[smem:$0x3FB5] =	sst s6  }
0xf: {  	[smem:$0x3FB6] =	sst s7  }
0x10: {  	[smem:$0x3FB7] =	sst s8  }
0x11: {  	[smem:$0x3FB8] =	sst s9;
	s0 =	simm.s32 @!p0 $0x0  }
0x12: {  	s1 =	sld [smem:$0x3F9E];
	s0 =	simm.s32 @p0 $0x1  }
0x13: {  	[smem:$0x3FB9] =	sst s0;
	s0 =	simm.s32 @!p1 $0x0  }
0x14: {  	s2 =	sld [smem:$0x3F9D];
	s0 =	simm.s32 @p1 $0x1  }
0x15: {  	[smem:$0x3FBA] =	sst s0;
	s0 =	simm.s32 @!p2 $0x0  }
0x16: {  	s3 =	sld [smem:$0x3FDB];
	s0 =	simm.s32 @p2 $0x1  }
0x17: {  	s4 =	simm.s32 $0x1BF5;
	[smem:$0x3FBC] =	sst s0  }
0x18: {  	s0 =	sld [smem:$0x3F9F];
	_ =	swait.ge [sflag:s4], $0x0  }
0x19: {  	s7 =	sld [smem:$0x3FA0]  }
0x1a: {  	s8 =	sadd.s32 $0xFFFFE003, lr  }
0x1b: {  	s9 =	sadd.s32 $0xFFFFFEF7, lr;
	s5 =	simm.s32 $0xFFFFFFFF;
	p2 =	slt.u32 s8, $0xFFFFF086  }
0x1c: {  	p1 =	slt.u32 s9, $0xF7A;
	s5 =	simm.s32 @!p2 $0x0  }
0x1d: {  	s5 =	simm.s32 @p1 $0x1;
	p0 =	seq.s32 s7, s2  }
0x1e: {  	s7 =	smul.u32 @!p0 $0xF7A, s2;
	p2 =	seq.s32 @!p0 s5, $0x0  }
0x1f: {  	s9 =	smul.u32 $0xF7A, s1;
	s8 =	simm.s32 @!p0 $0x1BF5;
	p2 =	por !p2, p0  }
0x20: {  	[sflag:s8] =	ssyncset.s32 @!p0 $0xFFFFF086;
	s6 =	sadd.s32 @!p0 s3, s7;
	s7 =	simm.s32 @!p0 $0x108  }
0x21: {  	s3 =	sadd.s32 s3, s9;
	s6 =	sadd.s32 @!p0 $0x88, s6;
	s7 =	simm.s32 @p2 $0x1082  }
0x22: {  	[simem:s7], [sflag:s8] =	dma.local @!p0 [hbm:s6], $0xF7A  }
0x23: {  	s9 =	sor.u32 $0xD0000000, s2;
	s6 =	simm.s32 $0x108;
	_ =	swait.ge @!p0 [sflag:s8], $0x0  }
0x24: {  	s3 =	sadd.s32 $0x88, s3;
	s6 =	simm.s32 @!p1 $0x1082;
	[sflag:s4] =	ssyncset.s32 $0xFFFFF086  }
0x25: {  	[simem:s6], [sflag:s4] =	dma.local [hbm:s3], $0xF7A  }
0x26: {  	[smem:$0x3FA0] =	sst s1;
	(tag) =	ssettag s2;
	_ =	strace s9  }
0x27: {  	s1 =	sld [smem:$0x3FB0]  }
0x28: {  	s2 =	sld [smem:$0x3FB1]  }
0x29: {  	s4 =	sld [smem:$0x3FB3]  }
0x2a: {  	p0 =	seq.s32 s5, $0x0;
	s5 =	sld [smem:$0x3FB4]  }
0x2b: {  	s6 =	sld [smem:$0x3FB5]  }
0x2c: {  	s7 =	sld [smem:$0x3FB6]  }
0x2d: {  	s3 =	simm.s32 $0x108;
	s8 =	sld [smem:$0x3FB7]  }
0x2e: {  	s3 =	simm.s32 @!p0 $0x1082;
	s9 =	sld [smem:$0x3FB8]  }
0x2f: {  	lr =	sadd.s32 s0, s3;
	s0 =	sld [smem:$0x3FAF]  }
0x30: {  	s3 =	sld [smem:$0x3FB2]  }
0x31: {  	[smem:$0x3FBB] =	sst s10  }
0x32: {  	s10 =	sld [smem:$0x3FB9];
	_ =	sdelay $0x3  }
0x33: {  	p0 =	seq.s32 s10, $0x1;
	s10 =	sld [smem:$0x3FBB];
	_ =	sdelay $0x3  }
0x34: {  	[smem:$0x3FBB] =	sst s10  }
0x35: {  	s10 =	sld [smem:$0x3FBA];
	_ =	sdelay $0x3  }
0x36: {  	p1 =	seq.s32 s10, $0x1;
	s10 =	sld [smem:$0x3FBB];
	_ =	sdelay $0x3  }
0x37: {  	[smem:$0x3FBB] =	sst s10  }
0x38: {  	s10 =	sld [smem:$0x3FBC]  }
0x39: {  	_ = 	snop;
	(pc) =	sbr.ind lr, $3  }
0x3a: {  	_ = 	snop  }
0x3b: {  	_ = 	snop  }
0x3c: {  	p2 =	seq.s32 s10, $0x1;
	s10 =	sld [smem:$0x3FBB]  }
0x3d: {  	_ =	shalt  }
0x3e: {  	_ =	shalt  }
0x3f: {  	_ =	shalt  }
0x40: {  	_ =	shalt  }
0x41: {  	_ =	shalt  }
0x42: {  	_ =	shalt  }
0x43: {  	_ =	shalt  }
0x44: {  	_ =	shalt  }
0x45: {  	_ =	shalt  }
0x46: {  	_ =	shalt  }
0x47: {  	_ =	shalt  }
0x48: {  	_ =	shalt  }
0x49: {  	_ =	shalt  }
0x4a: {  	_ =	shalt  }
0x4b: {  	_ =	shalt  }
0x4c: {  	_ =	shalt  }
0x4d: {  	_ =	shalt  }
0x4e: {  	_ =	shalt  }
0x4f: {  	_ =	shalt  }
0x50: {  	_ =	shalt  }
0x51: {  	_ =	shalt  }
0x52: {  	_ =	shalt  }
0x53: {  	_ =	shalt  }
0x54: {  	_ =	shalt  }
0x55: {  	_ =	shalt  }
0x56: {  	_ =	shalt  }
0x57: {  	_ =	shalt  }
0x58: {  	_ =	shalt  }
0x59: {  	_ =	shalt  }
0x5a: {  	_ =	shalt  }
0x5b: {  	_ =	shalt  }
0x5c: {  	_ =	shalt  }
0x5d: {  	_ =	shalt  }
0x5e: {  	_ =	shalt  }
0x5f: {  	_ =	shalt  }
0x60: {  	_ =	shalt  }
0x61: {  	_ =	shalt  }
0x62: {  	_ =	shalt  }
0x63: {  	_ =	shalt  }
0x64: {  	_ =	shalt  }
0x65: {  	_ =	shalt  }
0x66: {  	_ =	shalt  }
0x67: {  	_ =	shalt  }
0x68: {  	_ =	shalt  }
0x69: {  	_ =	shalt  }
0x6a: {  	_ =	shalt  }
0x6b: {  	_ =	shalt  }
0x6c: {  	_ =	shalt  }
0x6d: {  	_ =	shalt  }
0x6e: {  	_ =	shalt  }
0x6f: {  	_ =	shalt  }
0x70: {  	_ =	shalt  }
0x71: {  	_ =	shalt  }
0x72: {  	_ =	shalt  }
0x73: {  	_ =	shalt  }
0x74: {  	_ =	shalt  }
0x75: {  	_ =	shalt  }
0x76: {  	_ =	shalt  }
0x77: {  	_ =	shalt  }
0x78: {  	_ =	shalt  }
0x79: {  	_ =	shalt  }
0x7a: {  	_ =	shalt  }
0x7b: {  	_ =	shalt  }
0x7c: {  	_ =	shalt  }
0x7d: {  	_ =	shalt  }
0x7e: {  	_ =	shalt  }
0x7f: {  	_ =	shalt  }
0x80: {  	_ =	shalt  }
0x81: {  	_ =	shalt  }
0x82: {  	_ =	shalt  }
0x83: {  	_ =	shalt  }
0x84: {  	_ =	shalt  }
0x85: {  	_ =	shalt  }
0x86: {  	_ =	shalt  }
0x87: {  	_ =	shalt  }
.Lfunc_end0:
.L_simem_size_0:
called_computation_lowered:
.L_overlay_start_0:
0x88: {  	s2 =	sld [smem:$0x3FD9]  }
0x89: {  	s3 =	sld [smem:$0x3FFE];
	_ =	sdelay $0x1  }
0x8a: {  	s1 =	srdreg.scid  }
0x8b: {  	s0 =	sand.u32 $0x1, s1  }
0x8c: {  	s18 =	sshll.u32 s0, $0xA;
	s2 =	sadd.s32 s3, s2  }
0x8d: {  	s2 =	sadd.s32 s2, s18  }
0x8e: {  	[smem:$0x3FC7] =	sst s2  }
0x8f: {  	_ = 	snop  }
0x90: {  	s2 =	sld [smem:$0x3FC9]  }
0x91: {  	s19 =	sld [smem:$0x3FD0];
	(tm) =	ssettm $0x1  }
0x92: {  	s4 =	sld [smem:$0x3FFB];
	_ =	sdelay $0x3  }
0x93: {  	_ =	strace s4  }
0x94: {  	s4 =	sld [smem:$0x3FFC];
	_ =	sdelay $0x3  }
0x95: {  	_ =	strace s4  }
0x96: {  	s4 =	sld [smem:$0x3FFD];
	_ =	sdelay $0x3  }
0x97: {  	_ =	strace s4  }
0x98: {  	_ =	strace $0x8FFFFFFF  }
0x99: {  	s20 =	sld [smem:$0x3FDB];
	_ =	sdelay $0x1  }
0x9a: {  	s5 =	simm.s32 $_scs_section_size  }
0x9b: {  	s6 =	simm.s32 $_size__tile_overlayer_lowered;
	s7 =	simm.s32 $_tile_overlayer_lowered  }
0x9c: {  	s23 =	simm.s32 $0x1BFF;
	s22 =	sshll.u32 s7, $0x1;
	s4 =	sadd.s32 s5, s20  }
0x9d: {  	s8 =	simm.s32 $0x0;
	s21 =	sshll.u32 s6, $0x1;
	s6 =	sadd.s32 s22, s4  }
0x9e: {  	[timem:s8], [sflag:s23] =	dma.local [hbm:s6], s21  }
0x9f: {  	_ =	swait.ge [sflag:s23], s21  }
0xa0: {  	s5 =	ssub.s32 $0x0, s21;
	[sflag:s23] =	ssyncset.done $0x0  }
0xa1: {  	[sflag:s23] =	ssyncadd.s32 s5;
	_ =	sdelay $0x1  }
0xa2: {  	s24 =	simm.s32 $0x1B8B  }
0xa3: {  	_ =	swait.ge [sflag:s24], $0x1  }
0xa4: {  	[sflag:s24] =	ssyncset.done $0x0  }
0xa5: {  	s25 =	simm.s32 $0x1B8E;
	[sflag:s24] =	ssyncadd.s32 $0xFFFFFFFF  }
0xa6: {  	s26 =	simm.s32 $execute0_lowered;
	[smem:$0x3FD2] =	sst s25  }
0xa7: {  	s5 =	sshll.u32 s26, $0x1;
	_ =	strace $0x80000046;
	[dreg:$0x1] =	wrdreg $0xFFFFFFFF  }
0xa8: {  	s28 =	simm.s32 $_size_execute0_lowered;
	s4 =	sadd.s32 s4, s5;
	[dreg:$0x0] =	wrdreg $0x0  }
0xa9: {  	s5 =	sshll.u32 s28, $0x1;
	[dreg:$0x2] =	wrdreg s4  }
0xaa: {  	[dreg:$0x3] =	wrdreg s5  }
0xab: {  	[dreg:$0x4] =	wrdreg $0xC0  }
0xac: {  	_ =	task [dreg:s8], $0x5FFFF  }
0xad: {  	[dreg:$0x1] =	wrdreg $0xFFFFFFFF  }
0xae: {  	[dreg:$0x0] =	wrdreg $0x60  }
0xaf: {  	[dreg:$0x2] =	wrdreg s2  }
0xb0: {  	[dreg:$0x3] =	wrdreg s19  }
0xb1: {  	[dreg:$0x4] =	wrdreg $0x9  }
0xb2: {  	_ =	task.clear_ibuf [dreg:s8], $0x5FFFF;
	_ =	strace $0x90000046  }
0xb3: {  	s29 =	simm.s32 $0x9;
	_ =	strace $0x80000048  }
0xb4: {  	_ =	swait.ge [sflag:s29], $0x1  }
0xb5: {  	[sflag:s29] =	ssyncadd.s32 $0xFFFFFFFF  }
0xb6: {  	_ =	strace $0x90000048  }
0xb7: {  	_ =	sfence  }
0xb8: {  	s30 =	sld [smem:$0x0];
	_ =	sdelay $0x2  }
0xb9: {  	s31 =	sshll.u32 s1, $0xD;
	s1 =	sshrl.u32 s1, $0x2  }
0xba: {  	s3 =	sand.u32 $0x4000, s31;
	s1 =	sadd.s32 s1, s30  }
0xbb: {  	s0 =	sor.u32 s3, s0;
	s1 =	sshll.u32 s1, $0x11  }
0xbc: {  	s0 =	sor.u32 s1, s0  }
0xbd: {  	s0 =	sadd.s32 $0x8F2B, s0  }
0xbe: {  	[sflag:s0] =	ssyncadd.remote.s32 $0x1  }
0xbf: {  	_ =	sfence.sel $0xFFFF  }
0xc0: {  	[dreg:$0x0] =	wrdreg $0xFFFFFFFF;
	(pc) =	sbr.abs _section_cstart, $3  }
0xc1: {  	[dreg:$0x1] =	wrdreg $0xFFFFFFFF  }
0xc2: {  	_ =	task.clear_ibuf [dreg:s8], $0x2FFFF;
	_ =	strace $0x9FFFFFFF  }
0xc3: {  	(tm) =	ssettm $0x7FFFFFFF  }
tec
execute0_lowered:
.L_overlay_start_1:
0x0: {  	(tag) =	ssettag $0x1  }
0x1: {  	s1 =	srdreg.scid;
	s0 =	stileid.u32  }
0x2: {  	s29 =	sand.u32 $0x1, s1;
	s3 =	sshll.u32 s0, $0x1  }
0x3: {  	s3 =	sor.u32 s29, s3  }
0x4: {  	p0 =	sgt.u32 s3, $0x18  }
.Ltmp0:
0x5: {  	_ = 	snop;
	(pc) =	sbr.rel @p0 .LBB2_4-.Ltmp0, $4  }
0x6: {  	s25 =	rddreg [dreg:$0x0]  }
0x7: {  	s28 =	rddreg [dreg:$0x1];
	s2 =	simm.s32 $0x0  }
0x8: {  	[smem:$0x7FF] =	sst s2  }
0x9: {  	s1 =	rddreg [dreg:$0x2];
	_ =	strace $0x80000047  }
0xa: {  	s4 =	smul.u32 $0x7D000, s3  }
0xb: {  	s7 =	smul.u32 $0xFA00, s3  }
0xc: {  	s26 =	sshrl.u32 s4, $0x3  }
0xd: {  	s3 =	sadd.s32 s25, s7;
	s11 =	sadd.s32 $0x1900, s26  }
0xe: {  	[tilespmem:s2], [sflag:$0x1] =	stream.linear.gather [hbm4b:s3+s2], $0xC800, $0x38;
	[tilespmem:$0x19000] =	vst v63  }
0xf: {  	s5 =	simm.s32 $0xC800;
	s6 =	simm.s32 $0x1;
	s4 =	sadd.s32 s25, s11  }
0x10: {  	[tilespmem:s5], [sflag:$0x2] =	stream.linear.gather [hbm4b:s4+s2], $0xC800, $0x38;
	[tilespmem:$0x19000] =	vst v63  }
0x11: {  	_ =	swait.ge [sflag:s6], $0xC800  }
0x12: {  	[sflag:s6] =	ssyncset.done $0x0  }
0x13: {  	s8 =	simm.s32 $0x3;
	s7 =	sadd.s32 s28, s7;
	[sflag:s6] =	ssyncadd.s32 $0xFFFF3800  }
0x14: {  	[hbm4b:s7+s2] =	stream.linear.scatter [tilespmem:s2], [sflag:$0x3], $0xC800, $0x38;
	[tilespmem:$0x19000] =	vst v63  }
0x15: {  	_ =	swait.ge [sflag:s8], $0xC800  }
0x16: {  	s14 =	sadd.s32 $0x3200, s26;
	[sflag:s8] =	ssyncset.done $0x0  }
0x17: {  	s10 =	simm.s32 $0x2;
	s9 =	sadd.s32 s25, s14;
	[sflag:s8] =	ssyncadd.s32 $0xFFFF3800  }
0x18: {  	[tilespmem:s2], [sflag:$0x1] =	stream.linear.gather [hbm4b:s9+s2], $0xC800, $0x38;
	[tilespmem:$0x19000] =	vst v63  }
0x19: {  	_ =	swait.ge [sflag:s10], $0xC800  }
0x1a: {  	[sflag:s10] =	ssyncset.done $0x0  }
0x1b: {  	s12 =	sadd.s32 s28, s11;
	s11 =	simm.s32 $0x4;
	[sflag:s10] =	ssyncadd.s32 $0xFFFF3800  }
0x1c: {  	[hbm4b:s12+s2] =	stream.linear.scatter [tilespmem:s5], [sflag:$0x4], $0xC800, $0x38;
	[tilespmem:$0x19000] =	vst v63  }
0x1d: {  	_ =	swait.ge [sflag:s11], $0xC800  }
0x1e: {  	s16 =	sadd.s32 $0x4B00, s26;
	[sflag:s11] =	ssyncset.done $0x0  }
0x1f: {  	s13 =	sadd.s32 s25, s16;
	[sflag:s11] =	ssyncadd.s32 $0xFFFF3800  }
0x20: {  	[tilespmem:s5], [sflag:$0x2] =	stream.linear.gather [hbm4b:s13+s2], $0xC800, $0x38;
	[tilespmem:$0x19000] =	vst v63  }
0x21: {  	_ =	swait.ge [sflag:s6], $0xC800  }
0x22: {  	[sflag:s6] =	ssyncset.done $0x0  }
0x23: {  	s14 =	sadd.s32 s28, s14;
	[sflag:s6] =	ssyncadd.s32 $0xFFFF3800  }
0x24: {  	[hbm4b:s14+s2] =	stream.linear.scatter [tilespmem:s2], [sflag:$0x3], $0xC800, $0x38;
	[tilespmem:$0x19000] =	vst v63  }
0x25: {  	_ =	swait.ge [sflag:s8], $0xC800  }
0x26: {  	s18 =	sadd.s32 $0x6400, s26;
	[sflag:s8] =	ssyncset.done $0x0  }
0x27: {  	s15 =	sadd.s32 s25, s18;
	[sflag:s8] =	ssyncadd.s32 $0xFFFF3800  }
0x28: {  	[tilespmem:s2], [sflag:$0x1] =	stream.linear.gather [hbm4b:s15+s2], $0xC800, $0x38;
	[tilespmem:$0x19000] =	vst v63  }
0x29: {  	_ =	swait.ge [sflag:s10], $0xC800  }
0x2a: {  	[sflag:s10] =	ssyncset.done $0x0  }
0x2b: {  	s16 =	sadd.s32 s28, s16;
	[sflag:s10] =	ssyncadd.s32 $0xFFFF3800  }
0x2c: {  	[hbm4b:s16+s2] =	stream.linear.scatter [tilespmem:s5], [sflag:$0x4], $0xC800, $0x38;
	[tilespmem:$0x19000] =	vst v63  }
0x2d: {  	_ =	swait.ge [sflag:s11], $0xC800  }
0x2e: {  	s20 =	sadd.s32 $0x7D00, s26;
	[sflag:s11] =	ssyncset.done $0x0  }
0x2f: {  	s17 =	sadd.s32 s25, s20;
	[sflag:s11] =	ssyncadd.s32 $0xFFFF3800  }
0x30: {  	[tilespmem:s5], [sflag:$0x2] =	stream.linear.gather [hbm4b:s17+s2], $0xC800, $0x38;
	[tilespmem:$0x19000] =	vst v63  }
0x31: {  	_ =	swait.ge [sflag:s6], $0xC800  }
0x32: {  	[sflag:s6] =	ssyncset.done $0x0  }
0x33: {  	s18 =	sadd.s32 s28, s18;
	[sflag:s6] =	ssyncadd.s32 $0xFFFF3800  }
0x34: {  	[hbm4b:s18+s2] =	stream.linear.scatter [tilespmem:s2], [sflag:$0x3], $0xC800, $0x38;
	[tilespmem:$0x19000] =	vst v63  }
0x35: {  	_ =	swait.ge [sflag:s8], $0xC800  }
0x36: {  	s22 =	sadd.s32 $0x9600, s26;
	[sflag:s8] =	ssyncset.done $0x0  }
0x37: {  	s19 =	sadd.s32 s25, s22;
	[sflag:s8] =	ssyncadd.s32 $0xFFFF3800  }
0x38: {  	[tilespmem:s2], [sflag:$0x1] =	stream.linear.gather [hbm4b:s19+s2], $0xC800, $0x38;
	[tilespmem:$0x19000] =	vst v63  }
0x39: {  	_ =	swait.ge [sflag:s10], $0xC800  }
0x3a: {  	[sflag:s10] =	ssyncset.done $0x0  }
0x3b: {  	s20 =	sadd.s32 s28, s20;
	[sflag:s10] =	ssyncadd.s32 $0xFFFF3800  }
0x3c: {  	[hbm4b:s20+s2] =	stream.linear.scatter [tilespmem:s5], [sflag:$0x4], $0xC800, $0x38;
	[tilespmem:$0x19000] =	vst v63  }
0x3d: {  	_ =	swait.ge [sflag:s11], $0xC800  }
0x3e: {  	s24 =	sadd.s32 $0xAF00, s26;
	[sflag:s11] =	ssyncset.done $0x0  }
0x3f: {  	s21 =	sadd.s32 s25, s24;
	[sflag:s11] =	ssyncadd.s32 $0xFFFF3800  }
0x40: {  	[tilespmem:s5], [sflag:$0x2] =	stream.linear.gather [hbm4b:s21+s2], $0xC800, $0x38;
	[tilespmem:$0x19000] =	vst v63  }
0x41: {  	_ =	swait.ge [sflag:s6], $0xC800  }
0x42: {  	[sflag:s6] =	ssyncset.done $0x0  }
0x43: {  	s22 =	sadd.s32 s28, s22;
	[sflag:s6] =	ssyncadd.s32 $0xFFFF3800  }
0x44: {  	[hbm4b:s22+s2] =	stream.linear.scatter [tilespmem:s2], [sflag:$0x3], $0xC800, $0x38;
	[tilespmem:$0x19000] =	vst v63  }
0x45: {  	_ =	swait.ge [sflag:s8], $0xC800  }
0x46: {  	s30 =	sadd.s32 $0xC800, s26;
	[sflag:s8] =	ssyncset.done $0x0  }
0x47: {  	s23 =	sadd.s32 s25, s30;
	[sflag:s8] =	ssyncadd.s32 $0xFFFF3800  }
0x48: {  	[tilespmem:s2], [sflag:$0x1] =	stream.linear.gather [hbm4b:s23+s2], $0xC800, $0x38;
	[tilespmem:$0x19000] =	vst v63  }
0x49: {  	_ =	swait.ge [sflag:s10], $0xC800  }
0x4a: {  	[sflag:s10] =	ssyncset.done $0x0  }
0x4b: {  	s24 =	sadd.s32 s28, s24;
	[sflag:s10] =	ssyncadd.s32 $0xFFFF3800  }
0x4c: {  	[hbm4b:s24+s2] =	stream.linear.scatter [tilespmem:s5], [sflag:$0x4], $0xC800, $0x38;
	[tilespmem:$0x19000] =	vst v63  }
0x4d: {  	_ =	swait.ge [sflag:s11], $0xC800  }
0x4e: {  	s31 =	sadd.s32 $0xE100, s26;
	[sflag:s11] =	ssyncset.done $0x0  }
0x4f: {  	s25 =	sadd.s32 s25, s31;
	[sflag:s11] =	ssyncadd.s32 $0xFFFF3800  }
0x50: {  	[tilespmem:s5], [sflag:$0x2] =	stream.linear.gather [hbm4b:s25+s2], $0xC800, $0x38;
	[tilespmem:$0x19000] =	vst v63  }
0x51: {  	_ =	swait.ge [sflag:s6], $0xC800  }
0x52: {  	s29 =	ssub.s32 $0x2, s29;
	s26 =	sadd.s32 s28, s30;
	[sflag:s6] =	ssyncset.done $0x0  }
0x53: {  	s28 =	sadd.s32 s28, s31;
	s31 =	sshrl.u32 s29, $0x1;
	[sflag:s6] =	ssyncadd.s32 $0xFFFF3800  }
0x54: {  	[hbm4b:s26+s2] =	stream.linear.scatter [tilespmem:s2], [sflag:$0x3], $0xC800, $0x38;
	[tilespmem:$0x19000] =	vst v63  }
0x55: {  	s29 =	ssub.s32 s29, s31;
	_ =	swait.ge [sflag:s10], $0xC800  }
0x56: {  	s29 =	smax.u32 s29, $0x1;
	[sflag:s10] =	ssyncset.done $0x0  }
0x57: {  	p0 =	sne.s32 s29, $0x1;
	[sflag:s10] =	ssyncadd.s32 $0xFFFF3800  }
0x58: {  	[hbm4b:s28+s2] =	stream.linear.scatter [tilespmem:s5], [sflag:$0x4], $0xC800, $0x38;
	[tilespmem:$0x19000] =	vst v63  }
.Ltmp1:
0x59: {  	_ =	swait.ge [sflag:s8], $0xC800;
	(pc) =	sbr.rel @!p0 .LBB2_3-.Ltmp1, $4  }
0x5a: {  	[sflag:s8] =	ssyncset.done $0x0  }
0x5b: {  	[sflag:s8] =	ssyncadd.s32 $0xFFFF3800  }
0x5c: {  	_ =	swait.ge [sflag:s11], $0xC800  }
0x5d: {  	s29 =	sadd.s32 $0xFFFFFFFF, s29;
	[sflag:s11] =	ssyncset.done $0x0  }
.LBB2_2:
0x5e: {  	p0 =	sne.s32 s29, $0x1;
	s29 =	sadd.s32 $0xFFFFFFFF, s29;
	[sflag:s11] =	ssyncadd.s32 $0xFFFF3800  }
0x5f: {  	[tilespmem:s2], [sflag:$0x1] =	stream.linear.gather [hbm4b:s3+s2], $0xC800, $0x38;
	[tilespmem:$0x19000] =	vst v63  }
0x60: {  	_ = 	snop  }
0x61: {  	[tilespmem:s5], [sflag:$0x2] =	stream.linear.gather [hbm4b:s4+s2], $0xC800, $0x38;
	[tilespmem:$0x19000] =	vst v63  }
0x62: {  	_ =	swait.ge [sflag:s6], $0xC800  }
0x63: {  	[sflag:s6] =	ssyncset.done $0x0  }
0x64: {  	[sflag:s6] =	ssyncadd.s32 $0xFFFF3800  }
0x65: {  	[hbm4b:s7+s2] =	stream.linear.scatter [tilespmem:s2], [sflag:$0x3], $0xC800, $0x38;
	[tilespmem:$0x19000] =	vst v63  }
0x66: {  	_ =	swait.ge [sflag:s8], $0xC800  }
0x67: {  	[sflag:s8] =	ssyncset.done $0x0  }
0x68: {  	[sflag:s8] =	ssyncadd.s32 $0xFFFF3800  }
0x69: {  	[tilespmem:s2], [sflag:$0x1] =	stream.linear.gather [hbm4b:s9+s2], $0xC800, $0x38;
	[tilespmem:$0x19000] =	vst v63  }
0x6a: {  	_ =	swait.ge [sflag:s10], $0xC800  }
0x6b: {  	[sflag:s10] =	ssyncset.done $0x0  }
0x6c: {  	[sflag:s10] =	ssyncadd.s32 $0xFFFF3800  }
0x6d: {  	[hbm4b:s12+s2] =	stream.linear.scatter [tilespmem:s5], [sflag:$0x4], $0xC800, $0x38;
	[tilespmem:$0x19000] =	vst v63  }
0x6e: {  	_ =	swait.ge [sflag:s11], $0xC800  }
0x6f: {  	[sflag:s11] =	ssyncset.done $0x0  }
0x70: {  	[sflag:s11] =	ssyncadd.s32 $0xFFFF3800  }
0x71: {  	[tilespmem:s5], [sflag:$0x2] =	stream.linear.gather [hbm4b:s13+s2], $0xC800, $0x38;
	[tilespmem:$0x19000] =	vst v63  }
0x72: {  	_ =	swait.ge [sflag:s6], $0xC800  }
0x73: {  	[sflag:s6] =	ssyncset.done $0x0  }
0x74: {  	[sflag:s6] =	ssyncadd.s32 $0xFFFF3800  }
0x75: {  	[hbm4b:s14+s2] =	stream.linear.scatter [tilespmem:s2], [sflag:$0x3], $0xC800, $0x38;
	[tilespmem:$0x19000] =	vst v63  }
0x76: {  	_ =	swait.ge [sflag:s8], $0xC800  }
0x77: {  	[sflag:s8] =	ssyncset.done $0x0  }
0x78: {  	[sflag:s8] =	ssyncadd.s32 $0xFFFF3800  }
0x79: {  	[tilespmem:s2], [sflag:$0x1] =	stream.linear.gather [hbm4b:s15+s2], $0xC800, $0x38;
	[tilespmem:$0x19000] =	vst v63  }
0x7a: {  	_ =	swait.ge [sflag:s10], $0xC800  }
0x7b: {  	[sflag:s10] =	ssyncset.done $0x0  }
0x7c: {  	[sflag:s10] =	ssyncadd.s32 $0xFFFF3800  }
0x7d: {  	[hbm4b:s16+s2] =	stream.linear.scatter [tilespmem:s5], [sflag:$0x4], $0xC800, $0x38;
	[tilespmem:$0x19000] =	vst v63  }
0x7e: {  	_ =	swait.ge [sflag:s11], $0xC800  }
0x7f: {  	[sflag:s11] =	ssyncset.done $0x0  }
0x80: {  	[sflag:s11] =	ssyncadd.s32 $0xFFFF3800  }
0x81: {  	[tilespmem:s5], [sflag:$0x2] =	stream.linear.gather [hbm4b:s17+s2], $0xC800, $0x38;
	[tilespmem:$0x19000] =	vst v63  }
0x82: {  	_ =	swait.ge [sflag:s6], $0xC800  }
0x83: {  	[sflag:s6] =	ssyncset.done $0x0  }
0x84: {  	[sflag:s6] =	ssyncadd.s32 $0xFFFF3800  }
0x85: {  	[hbm4b:s18+s2] =	stream.linear.scatter [tilespmem:s2], [sflag:$0x3], $0xC800, $0x38;
	[tilespmem:$0x19000] =	vst v63  }
0x86: {  	_ =	swait.ge [sflag:s8], $0xC800  }
0x87: {  	[sflag:s8] =	ssyncset.done $0x0  }
0x88: {  	[sflag:s8] =	ssyncadd.s32 $0xFFFF3800  }
0x89: {  	[tilespmem:s2], [sflag:$0x1] =	stream.linear.gather [hbm4b:s19+s2], $0xC800, $0x38;
	[tilespmem:$0x19000] =	vst v63  }
0x8a: {  	_ =	swait.ge [sflag:s10], $0xC800  }
0x8b: {  	[sflag:s10] =	ssyncset.done $0x0  }
0x8c: {  	[sflag:s10] =	ssyncadd.s32 $0xFFFF3800  }
0x8d: {  	[hbm4b:s20+s2] =	stream.linear.scatter [tilespmem:s5], [sflag:$0x4], $0xC800, $0x38;
	[tilespmem:$0x19000] =	vst v63  }
0x8e: {  	_ =	swait.ge [sflag:s11], $0xC800  }
0x8f: {  	[sflag:s11] =	ssyncset.done $0x0  }
0x90: {  	[sflag:s11] =	ssyncadd.s32 $0xFFFF3800  }
0x91: {  	[tilespmem:s5], [sflag:$0x2] =	stream.linear.gather [hbm4b:s21+s2], $0xC800, $0x38;
	[tilespmem:$0x19000] =	vst v63  }
0x92: {  	_ =	swait.ge [sflag:s6], $0xC800  }
0x93: {  	[sflag:s6] =	ssyncset.done $0x0  }
0x94: {  	[sflag:s6] =	ssyncadd.s32 $0xFFFF3800  }
0x95: {  	[hbm4b:s22+s2] =	stream.linear.scatter [tilespmem:s2], [sflag:$0x3], $0xC800, $0x38;
	[tilespmem:$0x19000] =	vst v63  }
0x96: {  	_ =	swait.ge [sflag:s8], $0xC800  }
0x97: {  	[sflag:s8] =	ssyncset.done $0x0  }
0x98: {  	[sflag:s8] =	ssyncadd.s32 $0xFFFF3800  }
0x99: {  	[tilespmem:s2], [sflag:$0x1] =	stream.linear.gather [hbm4b:s23+s2], $0xC800, $0x38;
	[tilespmem:$0x19000] =	vst v63  }
0x9a: {  	_ =	swait.ge [sflag:s10], $0xC800  }
0x9b: {  	[sflag:s10] =	ssyncset.done $0x0  }
0x9c: {  	[sflag:s10] =	ssyncadd.s32 $0xFFFF3800  }
0x9d: {  	[hbm4b:s24+s2] =	stream.linear.scatter [tilespmem:s5], [sflag:$0x4], $0xC800, $0x38;
	[tilespmem:$0x19000] =	vst v63  }
0x9e: {  	_ =	swait.ge [sflag:s11], $0xC800  }
0x9f: {  	[sflag:s11] =	ssyncset.done $0x0  }
0xa0: {  	[sflag:s11] =	ssyncadd.s32 $0xFFFF3800  }
0xa1: {  	[tilespmem:s5], [sflag:$0x2] =	stream.linear.gather [hbm4b:s25+s2], $0xC800, $0x38;
	[tilespmem:$0x19000] =	vst v63  }
0xa2: {  	_ =	swait.ge [sflag:s6], $0xC800  }
0xa3: {  	[sflag:s6] =	ssyncset.done $0x0  }
0xa4: {  	[sflag:s6] =	ssyncadd.s32 $0xFFFF3800  }
0xa5: {  	[hbm4b:s26+s2] =	stream.linear.scatter [tilespmem:s2], [sflag:$0x3], $0xC800, $0x38;
	[tilespmem:$0x19000] =	vst v63  }
0xa6: {  	_ =	swait.ge [sflag:s10], $0xC800  }
0xa7: {  	[sflag:s10] =	ssyncset.done $0x0  }
0xa8: {  	[sflag:s10] =	ssyncadd.s32 $0xFFFF3800  }
0xa9: {  	[hbm4b:s28+s2] =	stream.linear.scatter [tilespmem:s5], [sflag:$0x4], $0xC800, $0x38;
	[tilespmem:$0x19000] =	vst v63  }
.Ltmp2:
0xaa: {  	_ =	swait.ge [sflag:s8], $0xC800;
	(pc) =	sbr.rel @p0 .LBB2_2-.Ltmp2, $4  }
0xab: {  	[sflag:s8] =	ssyncset.done $0x0  }
0xac: {  	[sflag:s8] =	ssyncadd.s32 $0xFFFF3800  }
0xad: {  	_ =	swait.ge [sflag:s11], $0xC800  }
0xae: {  	[sflag:s11] =	ssyncset.done $0x0  }
.LBB2_3:
0xaf: {  	[sflag:s11] =	ssyncadd.s32 $0xFFFF3800  }
.LBB2_4:
0xb0: {  	_ =	sfence.sel $0x180000  }
0xb1: {  	[bflag:$0x0] =	sbarrier.arrive $0xFFFF  }
0xb2: {  	p0 =	sne.s32 s0, $0x0;
	_ =	strace $0x90000047  }
0xb3: {  	s0 =	sadd.s32 @!p0 $0x100000, s1;
	[bflag:$0x2] =	sbarrier.arrive $0xFFFF  }
0xb4: {  	[sflag:s0] =	ssyncadd.tile.s32 @!p0 $0x1;
	_ =	shalt  }
.Lfunc_end2:
_tile_overlayer_lowered:
.L_overlay_start_2:
0xb5: {  	(tag) =	ssettag $0x2  }
0xb6: {  	s0 =	rddreg [dreg:$0x0];
	s2 =	stileid.u32  }
0xb7: {  	s1 =	rddreg [dreg:$0x1];
	p0 =	sne.s32 s2, $0x0  }
0xb8: {  	s3 =	rddreg [dreg:$0x2];
	[bflag:$0x3] =	sbarrier.arrive $0xFFFF;
	s2 =	simm.s32 @!p0 $0x1C05  }
0xb9: {  	[timem:s3], [sflag:s2] =	dma.local @!p0 [hbm:s0], s1  }
0xba: {  	s0 =	simm.s32 @!p0 $0x5  }
0xbb: {  	_ =	swait.ge @!p0 [sflag:s0], s1  }
0xbc: {  	s1 =	ssub.s32 @!p0 $0x0, s1;
	[sflag:s0] =	ssyncset.done @!p0 $0x0  }
0xbd: {  	[sflag:s0] =	ssyncadd.s32 @!p0 s1  }
0xbe: {  	[bflag:$0x3] =	sbarrier.arrive $0xFFFF  }
0xbf: {  	_ =	shalt  }

</sc_bundles>
